<compile_context>
chip_gen: v7x
topology: tpu7x:2x2x1
jax: 0.10.2.dev20260603
libtpu: 0.0.44.dev20260713+nightly
codegen_flags: <defaults>
</compile_context>

<pallas_src>
import jax
import jax.numpy as jnp
from jax.experimental import pallas as pl
from jax.experimental.pallas import tpu as pltpu

_S = 16
_TB = 128
_TB2 = 2048


def _gcn_body(feat_ref, adjt_ref, w_ref, bias_ref, a_ref, node_ref, ctx_ref):
    S = _S
    TB = _TB
    w = w_ref[...]
    hid, in_dim = w.shape
    a = a_ref[0]
    bias = jnp.broadcast_to(bias_ref[...], (hid, TB))
    dn = (((1,), (1,)), ((), ()))

    m = []
    for t in range(S):
        ft = feat_ref[:, t * in_dim:(t + 1) * in_dim]
        m.append(jax.lax.dot_general(
            w, ft, dn, preferred_element_type=jnp.float32))

    ctx_acc = jnp.zeros((hid, TB), jnp.float32)
    for s in range(S):
        acc = bias
        for t in range(S):
            row = adjt_ref[s * S + t:s * S + t + 1, :]
            acc = acc + jnp.broadcast_to(row, (hid, TB)) * m[t]
        h = jnp.where(acc >= 0, acc, a * acc)
        if s < S - 1:
            ctx_acc = ctx_acc + h
        else:
            node_ref[...] = h
    ctx_ref[...] = ctx_acc * (1.0 / (S - 1))


def _bil_body(node_ref, ctx_ref, ctxs_ref, w_ref, b_ref, pos_ref, neg_ref):
    t = jnp.dot(w_ref[...].T, node_ref[...],
                preferred_element_type=jnp.float32)
    b = b_ref[0]
    pos_ref[...] = jnp.sum(t * ctx_ref[...], axis=0, keepdims=True) + b
    neg_ref[...] = jnp.sum(t * ctxs_ref[...], axis=0, keepdims=True) + b


def kernel(feature_seq, adj_matrix, W_gcn, gcn_bias, prelu_a, bilinear_W,
           bilinear_b):
    B, S, IN = feature_seq.shape
    HID = W_gcn.shape[0]
    adjt = adj_matrix.transpose(1, 2, 0).reshape(S * S, B)
    feat2d = feature_seq.reshape(B, S * IN)
    bias2 = gcn_bias.reshape(HID, 1)
    a1 = prelu_a.reshape(1)

    node_t, ctx_t = pl.pallas_call(
        _gcn_body,
        grid=(B // _TB,),
        in_specs=[
            pl.BlockSpec((_TB, S * IN), lambda i: (i, 0)),
            pl.BlockSpec((S * S, _TB), lambda i: (0, i)),
            pl.BlockSpec((HID, IN), lambda i: (0, 0)),
            pl.BlockSpec((HID, 1), lambda i: (0, 0)),
            pl.BlockSpec(memory_space=pltpu.SMEM),
        ],
        out_specs=[
            pl.BlockSpec((HID, _TB), lambda i: (0, i)),
            pl.BlockSpec((HID, _TB), lambda i: (0, i)),
        ],
        out_shape=[
            jax.ShapeDtypeStruct((HID, B), jnp.float32),
            jax.ShapeDtypeStruct((HID, B), jnp.float32),
        ],
    )(feat2d, adjt, W_gcn, bias2, a1)

    ctxs_t = jnp.concatenate([ctx_t[:, B - 2:B - 1], ctx_t[:, :B - 1]], axis=1)
    wb = bilinear_W.reshape(HID, HID)
    bb = bilinear_b.reshape(1)

    pos_t, neg_t = pl.pallas_call(
        _bil_body,
        grid=(B // _TB2,),
        in_specs=[
            pl.BlockSpec((HID, _TB2), lambda i: (0, i)),
            pl.BlockSpec((HID, _TB2), lambda i: (0, i)),
            pl.BlockSpec((HID, _TB2), lambda i: (0, i)),
            pl.BlockSpec((HID, HID), lambda i: (0, 0)),
            pl.BlockSpec(memory_space=pltpu.SMEM),
        ],
        out_specs=[
            pl.BlockSpec((1, _TB2), lambda i: (0, i)),
            pl.BlockSpec((1, _TB2), lambda i: (0, i)),
        ],
        out_shape=[
            jax.ShapeDtypeStruct((1, B), jnp.float32),
            jax.ShapeDtypeStruct((1, B), jnp.float32),
        ],
    )(node_t, ctx_t, ctxs_t, wb, bb)

    logits = jnp.concatenate([pos_t, neg_t], axis=1).reshape(2 * B, 1)
    return (logits, node_t.T, ctx_t.T)

# --- scband reference (transcript-rebuilt; emitter-appended) ---
"""Pipeline reference for scband-model-23003844838034 (READ-ONLY COPY).

The authoritative reference and input builder live on the scoring server;
editing this copy changes nothing except your own understanding.
"""

import jax, jax.numpy as jnp
import numpy as np

B = 16384
S = 16
IN_DIM = 256
HID = 64
NEG = 1


def setup_inputs(seed: int = 0) -> dict:
    key = jax.random.key(seed)
    k1, k2, k3, k4 = jax.random.split(key, 4)
    feature_seq = jax.random.normal(k1, (B, S, IN_DIM), dtype=jnp.float32)
    adj_matrix = jax.random.uniform(k2, (B, S, S), dtype=jnp.float32)
    lim = float(np.sqrt(6.0 / (IN_DIM + HID)))
    W_gcn = jax.random.uniform(k3, (HID, IN_DIM), minval=-lim, maxval=lim, dtype=jnp.float32)
    gcn_bias = jnp.zeros((HID,), dtype=jnp.float32)
    prelu_a = jnp.array(0.25, dtype=jnp.float32)
    limb = float(np.sqrt(6.0 / (HID + HID)))
    bilinear_W = jax.random.uniform(k4, (1, HID, HID), minval=-limb, maxval=limb, dtype=jnp.float32)
    bilinear_b = jnp.zeros((1,), dtype=jnp.float32)
    return {
        "feature_seq": feature_seq,
        "adj_matrix": adj_matrix,
        "W_gcn": W_gcn,
        "gcn_bias": gcn_bias,
        "prelu_a": prelu_a,
        "bilinear_W": bilinear_W,
        "bilinear_b": bilinear_b,
    }


def reference(feature_seq, adj_matrix, W_gcn, gcn_bias, prelu_a, bilinear_W, bilinear_b):
    # GCN layer: linear map (no bias), dense bmm with adjacency, learned bias, PReLU
    mapped = jnp.einsum('bsi,hi->bsh', feature_seq, W_gcn)
    out = jnp.einsum('bst,bth->bsh', adj_matrix, mapped) + gcn_bias
    h_all = jnp.where(out >= 0, out, prelu_a * out)
    # target node embedding = last node in each subgraph
    node_h = h_all[:, -1, :]
    # average-pooling readout over context nodes
    context_c = jnp.mean(h_all[:, :-1, :], axis=1)
    # bilinear discriminator with NEG negative samples via row-rotation of context
    def bil(x1, x2):
        return jnp.einsum('bi,oij,bj->bo', x1, bilinear_W, x2) + bilinear_b
    scores = [bil(node_h, context_c)]
    ctx = context_c
    for _ in range(NEG):
        ctx = jnp.concatenate([ctx[-2:-1, :], ctx[:-1, :]], axis=0)
        scores.append(bil(node_h, ctx))
    logits = jnp.concatenate(scores, axis=0)
    return (logits, node_h, context_c)

if __name__ == "__main__":
    import jax
    _d = setup_inputs()
    print(jax.jit(kernel)(*tuple(_d.values())))

</pallas_src>

<mosaic_0001>
module attributes {stable_mosaic.version = 14 : i64} {
  func.func @_bil_body(%arg0: i32, %arg1: memref<64x2048xf32, #tpu.memory_space<vmem>>, %arg2: memref<64x2048xf32, #tpu.memory_space<vmem>>, %arg3: memref<64x2048xf32, #tpu.memory_space<vmem>>, %arg4: memref<64x64xf32, #tpu.memory_space<vmem>>, %arg5: memref<1xf32, #tpu.memory_space<smem>>, %arg6: memref<1x2048xf32, #tpu.memory_space<vmem>>, %arg7: memref<1x2048xf32, #tpu.memory_space<vmem>>) attributes {dimension_semantics = [#tpu.dimension_semantics<arbitrary>], iteration_bounds = array<i64: 8>, scalar_prefetch = 0 : i64, scratch_operands = 0 : i64, tpu.core_type = #tpu.core_type<tc>, window_params = [{transform_indices = @transform_0, window_bounds = array<i64: 64, 2048>}, {transform_indices = @transform_1, window_bounds = array<i64: 64, 2048>}, {transform_indices = @transform_2, window_bounds = array<i64: 64, 2048>}, {pipeline_mode = #tpu.pipeline_mode<synchronous>, transform_indices = @transform_3, window_bounds = array<i64: 64, 64>}, {transform_indices = @transform_4, window_bounds = array<i64: 1>}, {transform_indices = @transform_5, window_bounds = array<i64: 1, 2048>}, {transform_indices = @transform_6, window_bounds = array<i64: 1, 2048>}]} {
    %get3A = arith.constant 0 : index
    %get3A_0 = arith.constant 0 : index
    %get3A_1 = vector.load %arg4[%get3A, %get3A_0] : memref<64x64xf32, #tpu.memory_space<vmem>>, vector<64x64xf32>
    %transpose3A = tpu.transpose %get3A_1, [1, 0] : vector<64x64xf32> -> vector<64x64xf32>
    %get3A_2 = arith.constant 0 : index
    %get3A_3 = arith.constant 0 : index
    %get3A_4 = vector.load %arg1[%get3A_2, %get3A_3] : memref<64x2048xf32, #tpu.memory_space<vmem>>, vector<64x2048xf32>
    %dot_general3A = arith.constant dense<0.000000e+00> : vector<64x2048xf32>
    %dot_general3A_5 = tpu.matmul %transpose3A, %get3A_4, %dot_general3A {dimension_numbers = #tpu.dot_dimension_numbers<[1], [0], [0], [1], [0, 0, 1, 1], [], []>, transpose_lhs_hint = false} : vector<64x64xf32>, vector<64x2048xf32>, vector<64x2048xf32> -> vector<64x2048xf32>
    %get3A_6 = arith.constant 0 : index
    %get3A_7 = memref.load %arg5[%get3A_6] : memref<1xf32, #tpu.memory_space<smem>>
    %get3A_8 = arith.constant 0 : index
    %get3A_9 = arith.constant 0 : index
    %get3A_10 = vector.load %arg2[%get3A_8, %get3A_9] : memref<64x2048xf32, #tpu.memory_space<vmem>>, vector<64x2048xf32>
    %mul3A = arith.mulf %dot_general3A_5, %get3A_10 : vector<64x2048xf32>
    %reduce_sum3A = arith.constant dense<0.000000e+00> : vector<2048xf32>
    %reduce_sum3A_11 = vector.multi_reduction <add>, %mul3A, %reduce_sum3A [0] : vector<64x2048xf32> to vector<2048xf32>
    %broadcast_in_dim3A = vector.shape_cast %reduce_sum3A_11 : vector<2048xf32> to vector<1x2048xf32>
    %add3A = vector.broadcast %get3A_7 : f32 to vector<1x2048xf32>
    %add3A_12 = arith.addf %broadcast_in_dim3A, %add3A : vector<1x2048xf32>
    %swap3A = arith.constant 0 : index
    %swap3A_13 = arith.constant 0 : index
    %swap3A_14 = vector.load %arg6[%swap3A, %swap3A_13] : memref<1x2048xf32, #tpu.memory_space<vmem>>, vector<1x2048xf32>
    tpu.vector_store %arg6[%swap3A, %swap3A_13], %add3A_12 {strides = array<i32>} : memref<1x2048xf32, #tpu.memory_space<vmem>>, vector<1x2048xf32>,
    %get3A_15 = arith.constant 0 : index
    %get3A_16 = arith.constant 0 : index
    %get3A_17 = vector.load %arg3[%get3A_15, %get3A_16] : memref<64x2048xf32, #tpu.memory_space<vmem>>, vector<64x2048xf32>
    %mul3A_18 = arith.mulf %dot_general3A_5, %get3A_17 : vector<64x2048xf32>
    %reduce_sum3A_19 = arith.constant dense<0.000000e+00> : vector<2048xf32>
    %reduce_sum3A_20 = vector.multi_reduction <add>, %mul3A_18, %reduce_sum3A_19 [0] : vector<64x2048xf32> to vector<2048xf32>
    %broadcast_in_dim3A_21 = vector.shape_cast %reduce_sum3A_20 : vector<2048xf32> to vector<1x2048xf32>
    %add3A_22 = vector.broadcast %get3A_7 : f32 to vector<1x2048xf32>
    %add3A_23 = arith.addf %broadcast_in_dim3A_21, %add3A_22 : vector<1x2048xf32>
    %swap3A_24 = arith.constant 0 : index
    %swap3A_25 = arith.constant 0 : index
    %swap3A_26 = vector.load %arg7[%swap3A_24, %swap3A_25] : memref<1x2048xf32, #tpu.memory_space<vmem>>, vector<1x2048xf32>
    tpu.vector_store %arg7[%swap3A_24, %swap3A_25], %add3A_23 {strides = array<i32>} : memref<1x2048xf32, #tpu.memory_space<vmem>>, vector<1x2048xf32>,
    return
  }
  func.func @transform_0(%arg0: i32) -> (i32, i32) {
    %c0_i32 = arith.constant 0 : i32
    %c0_i32_0 = arith.constant 0 : i32
    return %c0_i32, %arg0 : i32, i32
  }
  func.func @transform_1(%arg0: i32) -> (i32, i32) {
    %c0_i32 = arith.constant 0 : i32
    %c0_i32_0 = arith.constant 0 : i32
    return %c0_i32, %arg0 : i32, i32
  }
  func.func @transform_2(%arg0: i32) -> (i32, i32) {
    %c0_i32 = arith.constant 0 : i32
    %c0_i32_0 = arith.constant 0 : i32
    return %c0_i32, %arg0 : i32, i32
  }
  func.func @transform_3(%arg0: i32) -> (i32, i32) {
    %c0_i32 = arith.constant 0 : i32
    %c0_i32_0 = arith.constant 0 : i32
    %c0_i32_1 = arith.constant 0 : i32
    return %c0_i32, %c0_i32_0 : i32, i32
  }
  func.func @transform_4(%arg0: i32) -> i32 {
    %c0_i32 = arith.constant 0 : i32
    %c0_i32_0 = arith.constant 0 : i32
    return %c0_i32 : i32
  }
  func.func @transform_5(%arg0: i32) -> (i32, i32) {
    %c0_i32 = arith.constant 0 : i32
    %c0_i32_0 = arith.constant 0 : i32
    return %c0_i32, %arg0 : i32, i32
  }
  func.func @transform_6(%arg0: i32) -> (i32, i32) {
    %c0_i32 = arith.constant 0 : i32
    %c0_i32_0 = arith.constant 0 : i32
    return %c0_i32, %arg0 : i32, i32
  }
}

module attributes {stable_mosaic.version = 14 : i64} {
  func.func @_gcn_body(%arg0: i32, %arg1: memref<128x4096xf32, #tpu.memory_space<vmem>>, %arg2: memref<256x128xf32, #tpu.memory_space<vmem>>, %arg3: memref<64x256xf32, #tpu.memory_space<vmem>>, %arg4: memref<64x1xf32, #tpu.memory_space<vmem>>, %arg5: memref<1xf32, #tpu.memory_space<smem>>, %arg6: memref<64x128xf32, #tpu.memory_space<vmem>>, %arg7: memref<64x128xf32, #tpu.memory_space<vmem>>) attributes {dimension_semantics = [#tpu.dimension_semantics<arbitrary>], iteration_bounds = array<i64: 128>, scalar_prefetch = 0 : i64, scratch_operands = 0 : i64, tpu.core_type = #tpu.core_type<tc>, window_params = [{transform_indices = @transform_0, window_bounds = array<i64: 128, 4096>}, {transform_indices = @transform_1, window_bounds = array<i64: 256, 128>}, {pipeline_mode = #tpu.pipeline_mode<synchronous>, transform_indices = @transform_2, window_bounds = array<i64: 64, 256>}, {pipeline_mode = #tpu.pipeline_mode<synchronous>, transform_indices = @transform_3, window_bounds = array<i64: 64, 1>}, {transform_indices = @transform_4, window_bounds = array<i64: 1>}, {transform_indices = @transform_5, window_bounds = array<i64: 64, 128>}, {transform_indices = @transform_6, window_bounds = array<i64: 64, 128>}]} {
    %get3A = arith.constant 0 : index
    %get3A_0 = arith.constant 0 : index
    %get3A_1 = vector.load %arg3[%get3A, %get3A_0] : memref<64x256xf32, #tpu.memory_space<vmem>>, vector<64x256xf32>
    %get3A_2 = arith.constant 0 : index
    %get3A_3 = memref.load %arg5[%get3A_2] : memref<1xf32, #tpu.memory_space<smem>>
    %get3A_4 = arith.constant 0 : index
    %get3A_5 = arith.constant 0 : index
    %get3A_6 = vector.load %arg4[%get3A_4, %get3A_5] : memref<64x1xf32, #tpu.memory_space<vmem>>, vector<64x1xf32>
    %broadcast_in_dim3A = vector.shape_cast %get3A_6 : vector<64x1xf32> to vector<64x1xf32>
    %broadcast_in_dim3A_7 = vector.broadcast %broadcast_in_dim3A : vector<64x1xf32> to vector<64x128xf32>
    %get3A_8 = arith.constant 0 : index
    %get3A_9 = arith.constant 0 : index
    %get3A_10 = vector.load %arg1[%get3A_8, %get3A_9] : memref<128x4096xf32, #tpu.memory_space<vmem>>, vector<128x256xf32>
    %dot_general3A = arith.constant dense<0.000000e+00> : vector<64x128xf32>
    %dot_general3A_11 = tpu.matmul %get3A_1, %get3A_10, %dot_general3A {dimension_numbers = #tpu.dot_dimension_numbers<[1], [1], [0], [0], [0, 0, 1, 0], [], []>, transpose_lhs_hint = false} : vector<64x256xf32>, vector<128x256xf32>, vector<64x128xf32> -> vector<64x128xf32>
    %get3A_12 = arith.constant 0 : index
    %get3A_13 = arith.constant 256 : index
    %get3A_14 = vector.load %arg1[%get3A_12, %get3A_13] : memref<128x4096xf32, #tpu.memory_space<vmem>>, vector<128x256xf32>
    %dot_general3A_15 = arith.constant dense<0.000000e+00> : vector<64x128xf32>
    %dot_general3A_16 = tpu.matmul %get3A_1, %get3A_14, %dot_general3A_15 {dimension_numbers = #tpu.dot_dimension_numbers<[1], [1], [0], [0], [0, 0, 1, 0], [], []>, transpose_lhs_hint = false} : vector<64x256xf32>, vector<128x256xf32>, vector<64x128xf32> -> vector<64x128xf32>
    %get3A_17 = arith.constant 0 : index
    %get3A_18 = arith.constant 512 : index
    %get3A_19 = vector.load %arg1[%get3A_17, %get3A_18] : memref<128x4096xf32, #tpu.memory_space<vmem>>, vector<128x256xf32>
    %dot_general3A_20 = arith.constant dense<0.000000e+00> : vector<64x128xf32>
    %dot_general3A_21 = tpu.matmul %get3A_1, %get3A_19, %dot_general3A_20 {dimension_numbers = #tpu.dot_dimension_numbers<[1], [1], [0], [0], [0, 0, 1, 0], [], []>, transpose_lhs_hint = false} : vector<64x256xf32>, vector<128x256xf32>, vector<64x128xf32> -> vector<64x128xf32>
    %get3A_22 = arith.constant 0 : index
    %get3A_23 = arith.constant 768 : index
    %get3A_24 = vector.load %arg1[%get3A_22, %get3A_23] : memref<128x4096xf32, #tpu.memory_space<vmem>>, vector<128x256xf32>
    %dot_general3A_25 = arith.constant dense<0.000000e+00> : vector<64x128xf32>
    %dot_general3A_26 = tpu.matmul %get3A_1, %get3A_24, %dot_general3A_25 {dimension_numbers = #tpu.dot_dimension_numbers<[1], [1], [0], [0], [0, 0, 1, 0], [], []>, transpose_lhs_hint = false} : vector<64x256xf32>, vector<128x256xf32>, vector<64x128xf32> -> vector<64x128xf32>
    %get3A_27 = arith.constant 0 : index
    %get3A_28 = arith.constant 1024 : index
    %get3A_29 = vector.load %arg1[%get3A_27, %get3A_28] : memref<128x4096xf32, #tpu.memory_space<vmem>>, vector<128x256xf32>
    %dot_general3A_30 = arith.constant dense<0.000000e+00> : vector<64x128xf32>
    %dot_general3A_31 = tpu.matmul %get3A_1, %get3A_29, %dot_general3A_30 {dimension_numbers = #tpu.dot_dimension_numbers<[1], [1], [0], [0], [0, 0, 1, 0], [], []>, transpose_lhs_hint = false} : vector<64x256xf32>, vector<128x256xf32>, vector<64x128xf32> -> vector<64x128xf32>
    %get3A_32 = arith.constant 0 : index
    %get3A_33 = arith.constant 1280 : index
    %get3A_34 = vector.load %arg1[%get3A_32, %get3A_33] : memref<128x4096xf32, #tpu.memory_space<vmem>>, vector<128x256xf32>
    %dot_general3A_35 = arith.constant dense<0.000000e+00> : vector<64x128xf32>
    %dot_general3A_36 = tpu.matmul %get3A_1, %get3A_34, %dot_general3A_35 {dimension_numbers = #tpu.dot_dimension_numbers<[1], [1], [0], [0], [0, 0, 1, 0], [], []>, transpose_lhs_hint = false} : vector<64x256xf32>, vector<128x256xf32>, vector<64x128xf32> -> vector<64x128xf32>
    %get3A_37 = arith.constant 0 : index
    %get3A_38 = arith.constant 1536 : index
    %get3A_39 = vector.load %arg1[%get3A_37, %get3A_38] : memref<128x4096xf32, #tpu.memory_space<vmem>>, vector<128x256xf32>
    %dot_general3A_40 = arith.constant dense<0.000000e+00> : vector<64x128xf32>
    %dot_general3A_41 = tpu.matmul %get3A_1, %get3A_39, %dot_general3A_40 {dimension_numbers = #tpu.dot_dimension_numbers<[1], [1], [0], [0], [0, 0, 1, 0], [], []>, transpose_lhs_hint = false} : vector<64x256xf32>, vector<128x256xf32>, vector<64x128xf32> -> vector<64x128xf32>
    %get3A_42 = arith.constant 0 : index
    %get3A_43 = arith.constant 1792 : index
    %get3A_44 = vector.load %arg1[%get3A_42, %get3A_43] : memref<128x4096xf32, #tpu.memory_space<vmem>>, vector<128x256xf32>
    %dot_general3A_45 = arith.constant dense<0.000000e+00> : vector<64x128xf32>
    %dot_general3A_46 = tpu.matmul %get3A_1, %get3A_44, %dot_general3A_45 {dimension_numbers = #tpu.dot_dimension_numbers<[1], [1], [0], [0], [0, 0, 1, 0], [], []>, transpose_lhs_hint = false} : vector<64x256xf32>, vector<128x256xf32>, vector<64x128xf32> -> vector<64x128xf32>
    %get3A_47 = arith.constant 0 : index
    %get3A_48 = arith.constant 2048 : index
    %get3A_49 = vector.load %arg1[%get3A_47, %get3A_48] : memref<128x4096xf32, #tpu.memory_space<vmem>>, vector<128x256xf32>
    %dot_general3A_50 = arith.constant dense<0.000000e+00> : vector<64x128xf32>
    %dot_general3A_51 = tpu.matmul %get3A_1, %get3A_49, %dot_general3A_50 {dimension_numbers = #tpu.dot_dimension_numbers<[1], [1], [0], [0], [0, 0, 1, 0], [], []>, transpose_lhs_hint = false} : vector<64x256xf32>, vector<128x256xf32>, vector<64x128xf32> -> vector<64x128xf32>
    %get3A_52 = arith.constant 0 : index
    %get3A_53 = arith.constant 2304 : index
    %get3A_54 = vector.load %arg1[%get3A_52, %get3A_53] : memref<128x4096xf32, #tpu.memory_space<vmem>>, vector<128x256xf32>
    %dot_general3A_55 = arith.constant dense<0.000000e+00> : vector<64x128xf32>
    %dot_general3A_56 = tpu.matmul %get3A_1, %get3A_54, %dot_general3A_55 {dimension_numbers = #tpu.dot_dimension_numbers<[1], [1], [0], [0], [0, 0, 1, 0], [], []>, transpose_lhs_hint = false} : vector<64x256xf32>, vector<128x256xf32>, vector<64x128xf32> -> vector<64x128xf32>
    %get3A_57 = arith.constant 0 : index
    %get3A_58 = arith.constant 2560 : index
    %get3A_59 = vector.load %arg1[%get3A_57, %get3A_58] : memref<128x4096xf32, #tpu.memory_space<vmem>>, vector<128x256xf32>
    %dot_general3A_60 = arith.constant dense<0.000000e+00> : vector<64x128xf32>
    %dot_general3A_61 = tpu.matmul %get3A_1, %get3A_59, %dot_general3A_60 {dimension_numbers = #tpu.dot_dimension_numbers<[1], [1], [0], [0], [0, 0, 1, 0], [], []>, transpose_lhs_hint = false} : vector<64x256xf32>, vector<128x256xf32>, vector<64x128xf32> -> vector<64x128xf32>
    %get3A_62 = arith.constant 0 : index
    %get3A_63 = arith.constant 2816 : index
    %get3A_64 = vector.load %arg1[%get3A_62, %get3A_63] : memref<128x4096xf32, #tpu.memory_space<vmem>>, vector<128x256xf32>
    %dot_general3A_65 = arith.constant dense<0.000000e+00> : vector<64x128xf32>
    %dot_general3A_66 = tpu.matmul %get3A_1, %get3A_64, %dot_general3A_65 {dimension_numbers = #tpu.dot_dimension_numbers<[1], [1], [0], [0], [0, 0, 1, 0], [], []>, transpose_lhs_hint = false} : vector<64x256xf32>, vector<128x256xf32>, vector<64x128xf32> -> vector<64x128xf32>
    %get3A_67 = arith.constant 0 : index
    %get3A_68 = arith.constant 3072 : index
    %get3A_69 = vector.load %arg1[%get3A_67, %get3A_68] : memref<128x4096xf32, #tpu.memory_space<vmem>>, vector<128x256xf32>
    %dot_general3A_70 = arith.constant dense<0.000000e+00> : vector<64x128xf32>
    %dot_general3A_71 = tpu.matmul %get3A_1, %get3A_69, %dot_general3A_70 {dimension_numbers = #tpu.dot_dimension_numbers<[1], [1], [0], [0], [0, 0, 1, 0], [], []>, transpose_lhs_hint = false} : vector<64x256xf32>, vector<128x256xf32>, vector<64x128xf32> -> vector<64x128xf32>
    %get3A_72 = arith.constant 0 : index
    %get3A_73 = arith.constant 3328 : index
    %get3A_74 = vector.load %arg1[%get3A_72, %get3A_73] : memref<128x4096xf32, #tpu.memory_space<vmem>>, vector<128x256xf32>
    %dot_general3A_75 = arith.constant dense<0.000000e+00> : vector<64x128xf32>
    %dot_general3A_76 = tpu.matmul %get3A_1, %get3A_74, %dot_general3A_75 {dimension_numbers = #tpu.dot_dimension_numbers<[1], [1], [0], [0], [0, 0, 1, 0], [], []>, transpose_lhs_hint = false} : vector<64x256xf32>, vector<128x256xf32>, vector<64x128xf32> -> vector<64x128xf32>
    %get3A_77 = arith.constant 0 : index
    %get3A_78 = arith.constant 3584 : index
    %get3A_79 = vector.load %arg1[%get3A_77, %get3A_78] : memref<128x4096xf32, #tpu.memory_space<vmem>>, vector<128x256xf32>
    %dot_general3A_80 = arith.constant dense<0.000000e+00> : vector<64x128xf32>
    %dot_general3A_81 = tpu.matmul %get3A_1, %get3A_79, %dot_general3A_80 {dimension_numbers = #tpu.dot_dimension_numbers<[1], [1], [0], [0], [0, 0, 1, 0], [], []>, transpose_lhs_hint = false} : vector<64x256xf32>, vector<128x256xf32>, vector<64x128xf32> -> vector<64x128xf32>
    %get3A_82 = arith.constant 0 : index
    %get3A_83 = arith.constant 3840 : index
    %get3A_84 = vector.load %arg1[%get3A_82, %get3A_83] : memref<128x4096xf32, #tpu.memory_space<vmem>>, vector<128x256xf32>
    %dot_general3A_85 = arith.constant dense<0.000000e+00> : vector<64x128xf32>
    %dot_general3A_86 = tpu.matmul %get3A_1, %get3A_84, %dot_general3A_85 {dimension_numbers = #tpu.dot_dimension_numbers<[1], [1], [0], [0], [0, 0, 1, 0], [], []>, transpose_lhs_hint = false} : vector<64x256xf32>, vector<128x256xf32>, vector<64x128xf32> -> vector<64x128xf32>
    %broadcast_in_dim3A_87 = arith.constant 0.000000e+00 : f32
    %broadcast_in_dim3A_88 = vector.broadcast %broadcast_in_dim3A_87 : f32 to vector<64x128xf32>
    %get3A_89 = arith.constant 0 : index
    %get3A_90 = arith.constant 0 : index
    %get3A_91 = vector.load %arg2[%get3A_89, %get3A_90] : memref<256x128xf32, #tpu.memory_space<vmem>>, vector<1x128xf32>
    %broadcast_in_dim3A_92 = vector.shape_cast %get3A_91 : vector<1x128xf32> to vector<1x128xf32>
    %broadcast_in_dim3A_93 = vector.broadcast %broadcast_in_dim3A_92 : vector<1x128xf32> to vector<64x128xf32>
    %mul3A = arith.mulf %broadcast_in_dim3A_93, %dot_general3A_11 : vector<64x128xf32>
    %add3A = arith.addf %broadcast_in_dim3A_7, %mul3A : vector<64x128xf32>
    %get3A_94 = arith.constant 1 : index
    %get3A_95 = arith.constant 0 : index
    %get3A_96 = vector.load %arg2[%get3A_94, %get3A_95] : memref<256x128xf32, #tpu.memory_space<vmem>>, vector<1x128xf32>
    %broadcast_in_dim3A_97 = vector.shape_cast %get3A_96 : vector<1x128xf32> to vector<1x128xf32>
    %broadcast_in_dim3A_98 = vector.broadcast %broadcast_in_dim3A_97 : vector<1x128xf32> to vector<64x128xf32>
    %mul3A_99 = arith.mulf %broadcast_in_dim3A_98, %dot_general3A_16 : vector<64x128xf32>
    %add3A_100 = arith.addf %add3A, %mul3A_99 : vector<64x128xf32>
    %get3A_101 = arith.constant 2 : index
    %get3A_102 = arith.constant 0 : index
    %get3A_103 = vector.load %arg2[%get3A_101, %get3A_102] : memref<256x128xf32, #tpu.memory_space<vmem>>, vector<1x128xf32>
    %broadcast_in_dim3A_104 = vector.shape_cast %get3A_103 : vector<1x128xf32> to vector<1x128xf32>
    %broadcast_in_dim3A_105 = vector.broadcast %broadcast_in_dim3A_104 : vector<1x128xf32> to vector<64x128xf32>
    %mul3A_106 = arith.mulf %broadcast_in_dim3A_105, %dot_general3A_21 : vector<64x128xf32>
    %add3A_107 = arith.addf %add3A_100, %mul3A_106 : vector<64x128xf32>
    %get3A_108 = arith.constant 3 : index
    %get3A_109 = arith.constant 0 : index
    %get3A_110 = vector.load %arg2[%get3A_108, %get3A_109] : memref<256x128xf32, #tpu.memory_space<vmem>>, vector<1x128xf32>
    %broadcast_in_dim3A_111 = vector.shape_cast %get3A_110 : vector<1x128xf32> to vector<1x128xf32>
    %broadcast_in_dim3A_112 = vector.broadcast %broadcast_in_dim3A_111 : vector<1x128xf32> to vector<64x128xf32>
    %mul3A_113 = arith.mulf %broadcast_in_dim3A_112, %dot_general3A_26 : vector<64x128xf32>
    %add3A_114 = arith.addf %add3A_107, %mul3A_113 : vector<64x128xf32>
    %get3A_115 = arith.constant 4 : index
    %get3A_116 = arith.constant 0 : index
    %get3A_117 = vector.load %arg2[%get3A_115, %get3A_116] : memref<256x128xf32, #tpu.memory_space<vmem>>, vector<1x128xf32>
    %broadcast_in_dim3A_118 = vector.shape_cast %get3A_117 : vector<1x128xf32> to vector<1x128xf32>
    %broadcast_in_dim3A_119 = vector.broadcast %broadcast_in_dim3A_118 : vector<1x128xf32> to vector<64x128xf32>
    %mul3A_120 = arith.mulf %broadcast_in_dim3A_119, %dot_general3A_31 : vector<64x128xf32>
    %add3A_121 = arith.addf %add3A_114, %mul3A_120 : vector<64x128xf32>
    %get3A_122 = arith.constant 5 : index
    %get3A_123 = arith.constant 0 : index
    %get3A_124 = vector.load %arg2[%get3A_122, %get3A_123] : memref<256x128xf32, #tpu.memory_space<vmem>>, vector<1x128xf32>
    %broadcast_in_dim3A_125 = vector.shape_cast %get3A_124 : vector<1x128xf32> to vector<1x128xf32>
    %broadcast_in_dim3A_126 = vector.broadcast %broadcast_in_dim3A_125 : vector<1x128xf32> to vector<64x128xf32>
    %mul3A_127 = arith.mulf %broadcast_in_dim3A_126, %dot_general3A_36 : vector<64x128xf32>
    %add3A_128 = arith.addf %add3A_121, %mul3A_127 : vector<64x128xf32>
    %get3A_129 = arith.constant 6 : index
    %get3A_130 = arith.constant 0 : index
    %get3A_131 = vector.load %arg2[%get3A_129, %get3A_130] : memref<256x128xf32, #tpu.memory_space<vmem>>, vector<1x128xf32>
    %broadcast_in_dim3A_132 = vector.shape_cast %get3A_131 : vector<1x128xf32> to vector<1x128xf32>
    %broadcast_in_dim3A_133 = vector.broadcast %broadcast_in_dim3A_132 : vector<1x128xf32> to vector<64x128xf32>
    %mul3A_134 = arith.mulf %broadcast_in_dim3A_133, %dot_general3A_41 : vector<64x128xf32>
    %add3A_135 = arith.addf %add3A_128, %mul3A_134 : vector<64x128xf32>
    %get3A_136 = arith.constant 7 : index
    %get3A_137 = arith.constant 0 : index
    %get3A_138 = vector.load %arg2[%get3A_136, %get3A_137] : memref<256x128xf32, #tpu.memory_space<vmem>>, vector<1x128xf32>
    %broadcast_in_dim3A_139 = vector.shape_cast %get3A_138 : vector<1x128xf32> to vector<1x128xf32>
    %broadcast_in_dim3A_140 = vector.broadcast %broadcast_in_dim3A_139 : vector<1x128xf32> to vector<64x128xf32>
    %mul3A_141 = arith.mulf %broadcast_in_dim3A_140, %dot_general3A_46 : vector<64x128xf32>
    %add3A_142 = arith.addf %add3A_135, %mul3A_141 : vector<64x128xf32>
    %get3A_143 = arith.constant 8 : index
    %get3A_144 = arith.constant 0 : index
    %get3A_145 = vector.load %arg2[%get3A_143, %get3A_144] : memref<256x128xf32, #tpu.memory_space<vmem>>, vector<1x128xf32>
    %broadcast_in_dim3A_146 = vector.shape_cast %get3A_145 : vector<1x128xf32> to vector<1x128xf32>
    %broadcast_in_dim3A_147 = vector.broadcast %broadcast_in_dim3A_146 : vector<1x128xf32> to vector<64x128xf32>
    %mul3A_148 = arith.mulf %broadcast_in_dim3A_147, %dot_general3A_51 : vector<64x128xf32>
    %add3A_149 = arith.addf %add3A_142, %mul3A_148 : vector<64x128xf32>
    %get3A_150 = arith.constant 9 : index
    %get3A_151 = arith.constant 0 : index
    %get3A_152 = vector.load %arg2[%get3A_150, %get3A_151] : memref<256x128xf32, #tpu.memory_space<vmem>>, vector<1x128xf32>
    %broadcast_in_dim3A_153 = vector.shape_cast %get3A_152 : vector<1x128xf32> to vector<1x128xf32>
    %broadcast_in_dim3A_154 = vector.broadcast %broadcast_in_dim3A_153 : vector<1x128xf32> to vector<64x128xf32>
    %mul3A_155 = arith.mulf %broadcast_in_dim3A_154, %dot_general3A_56 : vector<64x128xf32>
    %add3A_156 = arith.addf %add3A_149, %mul3A_155 : vector<64x128xf32>
    %get3A_157 = arith.constant 10 : index
    %get3A_158 = arith.constant 0 : index
    %get3A_159 = vector.load %arg2[%get3A_157, %get3A_158] : memref<256x128xf32, #tpu.memory_space<vmem>>, vector<1x128xf32>
    %broadcast_in_dim3A_160 = vector.shape_cast %get3A_159 : vector<1x128xf32> to vector<1x128xf32>
    %broadcast_in_dim3A_161 = vector.broadcast %broadcast_in_dim3A_160 : vector<1x128xf32> to vector<64x128xf32>
    %mul3A_162 = arith.mulf %broadcast_in_dim3A_161, %dot_general3A_61 : vector<64x128xf32>
    %add3A_163 = arith.addf %add3A_156, %mul3A_162 : vector<64x128xf32>
    %get3A_164 = arith.constant 11 : index
    %get3A_165 = arith.constant 0 : index
    %get3A_166 = vector.load %arg2[%get3A_164, %get3A_165] : memref<256x128xf32, #tpu.memory_space<vmem>>, vector<1x128xf32>
    %broadcast_in_dim3A_167 = vector.shape_cast %get3A_166 : vector<1x128xf32> to vector<1x128xf32>
    %broadcast_in_dim3A_168 = vector.broadcast %broadcast_in_dim3A_167 : vector<1x128xf32> to vector<64x128xf32>
    %mul3A_169 = arith.mulf %broadcast_in_dim3A_168, %dot_general3A_66 : vector<64x128xf32>
    %add3A_170 = arith.addf %add3A_163, %mul3A_169 : vector<64x128xf32>
    %get3A_171 = arith.constant 12 : index
    %get3A_172 = arith.constant 0 : index
    %get3A_173 = vector.load %arg2[%get3A_171, %get3A_172] : memref<256x128xf32, #tpu.memory_space<vmem>>, vector<1x128xf32>
    %broadcast_in_dim3A_174 = vector.shape_cast %get3A_173 : vector<1x128xf32> to vector<1x128xf32>
    %broadcast_in_dim3A_175 = vector.broadcast %broadcast_in_dim3A_174 : vector<1x128xf32> to vector<64x128xf32>
    %mul3A_176 = arith.mulf %broadcast_in_dim3A_175, %dot_general3A_71 : vector<64x128xf32>
    %add3A_177 = arith.addf %add3A_170, %mul3A_176 : vector<64x128xf32>
    %get3A_178 = arith.constant 13 : index
    %get3A_179 = arith.constant 0 : index
    %get3A_180 = vector.load %arg2[%get3A_178, %get3A_179] : memref<256x128xf32, #tpu.memory_space<vmem>>, vector<1x128xf32>
    %broadcast_in_dim3A_181 = vector.shape_cast %get3A_180 : vector<1x128xf32> to vector<1x128xf32>
    %broadcast_in_dim3A_182 = vector.broadcast %broadcast_in_dim3A_181 : vector<1x128xf32> to vector<64x128xf32>
    %mul3A_183 = arith.mulf %broadcast_in_dim3A_182, %dot_general3A_76 : vector<64x128xf32>
    %add3A_184 = arith.addf %add3A_177, %mul3A_183 : vector<64x128xf32>
    %get3A_185 = arith.constant 14 : index
    %get3A_186 = arith.constant 0 : index
    %get3A_187 = vector.load %arg2[%get3A_185, %get3A_186] : memref<256x128xf32, #tpu.memory_space<vmem>>, vector<1x128xf32>
    %broadcast_in_dim3A_188 = vector.shape_cast %get3A_187 : vector<1x128xf32> to vector<1x128xf32>
    %broadcast_in_dim3A_189 = vector.broadcast %broadcast_in_dim3A_188 : vector<1x128xf32> to vector<64x128xf32>
    %mul3A_190 = arith.mulf %broadcast_in_dim3A_189, %dot_general3A_81 : vector<64x128xf32>
    %add3A_191 = arith.addf %add3A_184, %mul3A_190 : vector<64x128xf32>
    %get3A_192 = arith.constant 15 : index
    %get3A_193 = arith.constant 0 : index
    %get3A_194 = vector.load %arg2[%get3A_192, %get3A_193] : memref<256x128xf32, #tpu.memory_space<vmem>>, vector<1x128xf32>
    %broadcast_in_dim3A_195 = vector.shape_cast %get3A_194 : vector<1x128xf32> to vector<1x128xf32>
    %broadcast_in_dim3A_196 = vector.broadcast %broadcast_in_dim3A_195 : vector<1x128xf32> to vector<64x128xf32>
    %mul3A_197 = arith.mulf %broadcast_in_dim3A_196, %dot_general3A_86 : vector<64x128xf32>
    %add3A_198 = arith.addf %add3A_191, %mul3A_197 : vector<64x128xf32>
    %ge3A = arith.constant 0.000000e+00 : f32
    %ge3A_199 = vector.broadcast %ge3A : f32 to vector<64x128xf32>
    %ge3A_200 = arith.cmpf oge, %add3A_198, %ge3A_199 : vector<64x128xf32>
    %mul3A_201 = vector.broadcast %get3A_3 : f32 to vector<64x128xf32>
    %mul3A_202 = arith.mulf %mul3A_201, %add3A_198 : vector<64x128xf32>
    %select_n3A = arith.select %ge3A_200, %add3A_198, %mul3A_202 : vector<64x128xi1>, vector<64x128xf32>
    %add3A_203 = arith.addf %broadcast_in_dim3A_88, %select_n3A : vector<64x128xf32>
    %get3A_204 = arith.constant 16 : index
    %get3A_205 = arith.constant 0 : index
    %get3A_206 = vector.load %arg2[%get3A_204, %get3A_205] : memref<256x128xf32, #tpu.memory_space<vmem>>, vector<1x128xf32>
    %broadcast_in_dim3A_207 = vector.shape_cast %get3A_206 : vector<1x128xf32> to vector<1x128xf32>
    %broadcast_in_dim3A_208 = vector.broadcast %broadcast_in_dim3A_207 : vector<1x128xf32> to vector<64x128xf32>
    %mul3A_209 = arith.mulf %broadcast_in_dim3A_208, %dot_general3A_11 : vector<64x128xf32>
    %add3A_210 = arith.addf %broadcast_in_dim3A_7, %mul3A_209 : vector<64x128xf32>
    %get3A_211 = arith.constant 17 : index
    %get3A_212 = arith.constant 0 : index
    %get3A_213 = vector.load %arg2[%get3A_211, %get3A_212] : memref<256x128xf32, #tpu.memory_space<vmem>>, vector<1x128xf32>
    %broadcast_in_dim3A_214 = vector.shape_cast %get3A_213 : vector<1x128xf32> to vector<1x128xf32>
    %broadcast_in_dim3A_215 = vector.broadcast %broadcast_in_dim3A_214 : vector<1x128xf32> to vector<64x128xf32>
    %mul3A_216 = arith.mulf %broadcast_in_dim3A_215, %dot_general3A_16 : vector<64x128xf32>
    %add3A_217 = arith.addf %add3A_210, %mul3A_216 : vector<64x128xf32>
    %get3A_218 = arith.constant 18 : index
    %get3A_219 = arith.constant 0 : index
    %get3A_220 = vector.load %arg2[%get3A_218, %get3A_219] : memref<256x128xf32, #tpu.memory_space<vmem>>, vector<1x128xf32>
    %broadcast_in_dim3A_221 = vector.shape_cast %get3A_220 : vector<1x128xf32> to vector<1x128xf32>
    %broadcast_in_dim3A_222 = vector.broadcast %broadcast_in_dim3A_221 : vector<1x128xf32> to vector<64x128xf32>
    %mul3A_223 = arith.mulf %broadcast_in_dim3A_222, %dot_general3A_21 : vector<64x128xf32>
    %add3A_224 = arith.addf %add3A_217, %mul3A_223 : vector<64x128xf32>
    %get3A_225 = arith.constant 19 : index
    %get3A_226 = arith.constant 0 : index
    %get3A_227 = vector.load %arg2[%get3A_225, %get3A_226] : memref<256x128xf32, #tpu.memory_space<vmem>>, vector<1x128xf32>
    %broadcast_in_dim3A_228 = vector.shape_cast %get3A_227 : vector<1x128xf32> to vector<1x128xf32>
    %broadcast_in_dim3A_229 = vector.broadcast %broadcast_in_dim3A_228 : vector<1x128xf32> to vector<64x128xf32>
    %mul3A_230 = arith.mulf %broadcast_in_dim3A_229, %dot_general3A_26 : vector<64x128xf32>
    %add3A_231 = arith.addf %add3A_224, %mul3A_230 : vector<64x128xf32>
    %get3A_232 = arith.constant 20 : index
    %get3A_233 = arith.constant 0 : index
    %get3A_234 = vector.load %arg2[%get3A_232, %get3A_233] : memref<256x128xf32, #tpu.memory_space<vmem>>, vector<1x128xf32>
    %broadcast_in_dim3A_235 = vector.shape_cast %get3A_234 : vector<1x128xf32> to vector<1x128xf32>
    %broadcast_in_dim3A_236 = vector.broadcast %broadcast_in_dim3A_235 : vector<1x128xf32> to vector<64x128xf32>
    %mul3A_237 = arith.mulf %broadcast_in_dim3A_236, %dot_general3A_31 : vector<64x128xf32>
    %add3A_238 = arith.addf %add3A_231, %mul3A_237 : vector<64x128xf32>
    %get3A_239 = arith.constant 21 : index
    %get3A_240 = arith.constant 0 : index
    %get3A_241 = vector.load %arg2[%get3A_239, %get3A_240] : memref<256x128xf32, #tpu.memory_space<vmem>>, vector<1x128xf32>
    %broadcast_in_dim3A_242 = vector.shape_cast %get3A_241 : vector<1x128xf32> to vector<1x128xf32>
    %broadcast_in_dim3A_243 = vector.broadcast %broadcast_in_dim3A_242 : vector<1x128xf32> to vector<64x128xf32>
    %mul3A_244 = arith.mulf %broadcast_in_dim3A_243, %dot_general3A_36 : vector<64x128xf32>
    %add3A_245 = arith.addf %add3A_238, %mul3A_244 : vector<64x128xf32>
    %get3A_246 = arith.constant 22 : index
    %get3A_247 = arith.constant 0 : index
    %get3A_248 = vector.load %arg2[%get3A_246, %get3A_247] : memref<256x128xf32, #tpu.memory_space<vmem>>, vector<1x128xf32>
    %broadcast_in_dim3A_249 = vector.shape_cast %get3A_248 : vector<1x128xf32> to vector<1x128xf32>
    %broadcast_in_dim3A_250 = vector.broadcast %broadcast_in_dim3A_249 : vector<1x128xf32> to vector<64x128xf32>
    %mul3A_251 = arith.mulf %broadcast_in_dim3A_250, %dot_general3A_41 : vector<64x128xf32>
    %add3A_252 = arith.addf %add3A_245, %mul3A_251 : vector<64x128xf32>
    %get3A_253 = arith.constant 23 : index
    %get3A_254 = arith.constant 0 : index
    %get3A_255 = vector.load %arg2[%get3A_253, %get3A_254] : memref<256x128xf32, #tpu.memory_space<vmem>>, vector<1x128xf32>
    %broadcast_in_dim3A_256 = vector.shape_cast %get3A_255 : vector<1x128xf32> to vector<1x128xf32>
    %broadcast_in_dim3A_257 = vector.broadcast %broadcast_in_dim3A_256 : vector<1x128xf32> to vector<64x128xf32>
    %mul3A_258 = arith.mulf %broadcast_in_dim3A_257, %dot_general3A_46 : vector<64x128xf32>
    %add3A_259 = arith.addf %add3A_252, %mul3A_258 : vector<64x128xf32>
    %get3A_260 = arith.constant 24 : index
    %get3A_261 = arith.constant 0 : index
    %get3A_262 = vector.load %arg2[%get3A_260, %get3A_261] : memref<256x128xf32, #tpu.memory_space<vmem>>, vector<1x128xf32>
    %broadcast_in_dim3A_263 = vector.shape_cast %get3A_262 : vector<1x128xf32> to vector<1x128xf32>
    %broadcast_in_dim3A_264 = vector.broadcast %broadcast_in_dim3A_263 : vector<1x128xf32> to vector<64x128xf32>
    %mul3A_265 = arith.mulf %broadcast_in_dim3A_264, %dot_general3A_51 : vector<64x128xf32>
    %add3A_266 = arith.addf %add3A_259, %mul3A_265 : vector<64x128xf32>
    %get3A_267 = arith.constant 25 : index
    %get3A_268 = arith.constant 0 : index
    %get3A_269 = vector.load %arg2[%get3A_267, %get3A_268] : memref<256x128xf32, #tpu.memory_space<vmem>>, vector<1x128xf32>
    %broadcast_in_dim3A_270 = vector.shape_cast %get3A_269 : vector<1x128xf32> to vector<1x128xf32>
    %broadcast_in_dim3A_271 = vector.broadcast %broadcast_in_dim3A_270 : vector<1x128xf32> to vector<64x128xf32>
    %mul3A_272 = arith.mulf %broadcast_in_dim3A_271, %dot_general3A_56 : vector<64x128xf32>
    %add3A_273 = arith.addf %add3A_266, %mul3A_272 : vector<64x128xf32>
    %get3A_274 = arith.constant 26 : index
    %get3A_275 = arith.constant 0 : index
    %get3A_276 = vector.load %arg2[%get3A_274, %get3A_275] : memref<256x128xf32, #tpu.memory_space<vmem>>, vector<1x128xf32>
    %broadcast_in_dim3A_277 = vector.shape_cast %get3A_276 : vector<1x128xf32> to vector<1x128xf32>
    %broadcast_in_dim3A_278 = vector.broadcast %broadcast_in_dim3A_277 : vector<1x128xf32> to vector<64x128xf32>
    %mul3A_279 = arith.mulf %broadcast_in_dim3A_278, %dot_general3A_61 : vector<64x128xf32>
    %add3A_280 = arith.addf %add3A_273, %mul3A_279 : vector<64x128xf32>
    %get3A_281 = arith.constant 27 : index
    %get3A_282 = arith.constant 0 : index
    %get3A_283 = vector.load %arg2[%get3A_281, %get3A_282] : memref<256x128xf32, #tpu.memory_space<vmem>>, vector<1x128xf32>
    %broadcast_in_dim3A_284 = vector.shape_cast %get3A_283 : vector<1x128xf32> to vector<1x128xf32>
    %broadcast_in_dim3A_285 = vector.broadcast %broadcast_in_dim3A_284 : vector<1x128xf32> to vector<64x128xf32>
    %mul3A_286 = arith.mulf %broadcast_in_dim3A_285, %dot_general3A_66 : vector<64x128xf32>
    %add3A_287 = arith.addf %add3A_280, %mul3A_286 : vector<64x128xf32>
    %get3A_288 = arith.constant 28 : index
    %get3A_289 = arith.constant 0 : index
    %get3A_290 = vector.load %arg2[%get3A_288, %get3A_289] : memref<256x128xf32, #tpu.memory_space<vmem>>, vector<1x128xf32>
    %broadcast_in_dim3A_291 = vector.shape_cast %get3A_290 : vector<1x128xf32> to vector<1x128xf32>
    %broadcast_in_dim3A_292 = vector.broadcast %broadcast_in_dim3A_291 : vector<1x128xf32> to vector<64x128xf32>
    %mul3A_293 = arith.mulf %broadcast_in_dim3A_292, %dot_general3A_71 : vector<64x128xf32>
    %add3A_294 = arith.addf %add3A_287, %mul3A_293 : vector<64x128xf32>
    %get3A_295 = arith.constant 29 : index
    %get3A_296 = arith.constant 0 : index
    %get3A_297 = vector.load %arg2[%get3A_295, %get3A_296] : memref<256x128xf32, #tpu.memory_space<vmem>>, vector<1x128xf32>
    %broadcast_in_dim3A_298 = vector.shape_cast %get3A_297 : vector<1x128xf32> to vector<1x128xf32>
    %broadcast_in_dim3A_299 = vector.broadcast %broadcast_in_dim3A_298 : vector<1x128xf32> to vector<64x128xf32>
    %mul3A_300 = arith.mulf %broadcast_in_dim3A_299, %dot_general3A_76 : vector<64x128xf32>
    %add3A_301 = arith.addf %add3A_294, %mul3A_300 : vector<64x128xf32>
    %get3A_302 = arith.constant 30 : index
    %get3A_303 = arith.constant 0 : index
    %get3A_304 = vector.load %arg2[%get3A_302, %get3A_303] : memref<256x128xf32, #tpu.memory_space<vmem>>, vector<1x128xf32>
    %broadcast_in_dim3A_305 = vector.shape_cast %get3A_304 : vector<1x128xf32> to vector<1x128xf32>
    %broadcast_in_dim3A_306 = vector.broadcast %broadcast_in_dim3A_305 : vector<1x128xf32> to vector<64x128xf32>
    %mul3A_307 = arith.mulf %broadcast_in_dim3A_306, %dot_general3A_81 : vector<64x128xf32>
    %add3A_308 = arith.addf %add3A_301, %mul3A_307 : vector<64x128xf32>
    %get3A_309 = arith.constant 31 : index
    %get3A_310 = arith.constant 0 : index
    %get3A_311 = vector.load %arg2[%get3A_309, %get3A_310] : memref<256x128xf32, #tpu.memory_space<vmem>>, vector<1x128xf32>
    %broadcast_in_dim3A_312 = vector.shape_cast %get3A_311 : vector<1x128xf32> to vector<1x128xf32>
    %broadcast_in_dim3A_313 = vector.broadcast %broadcast_in_dim3A_312 : vector<1x128xf32> to vector<64x128xf32>
    %mul3A_314 = arith.mulf %broadcast_in_dim3A_313, %dot_general3A_86 : vector<64x128xf32>
    %add3A_315 = arith.addf %add3A_308, %mul3A_314 : vector<64x128xf32>
    %ge3A_316 = arith.constant 0.000000e+00 : f32
    %ge3A_317 = vector.broadcast %ge3A_316 : f32 to vector<64x128xf32>
    %ge3A_318 = arith.cmpf oge, %add3A_315, %ge3A_317 : vector<64x128xf32>
    %mul3A_319 = vector.broadcast %get3A_3 : f32 to vector<64x128xf32>
    %mul3A_320 = arith.mulf %mul3A_319, %add3A_315 : vector<64x128xf32>
    %select_n3A_321 = arith.select %ge3A_318, %add3A_315, %mul3A_320 : vector<64x128xi1>, vector<64x128xf32>
    %add3A_322 = arith.addf %add3A_203, %select_n3A_321 : vector<64x128xf32>
    %get3A_323 = arith.constant 32 : index
    %get3A_324 = arith.constant 0 : index
    %get3A_325 = vector.load %arg2[%get3A_323, %get3A_324] : memref<256x128xf32, #tpu.memory_space<vmem>>, vector<1x128xf32>
    %broadcast_in_dim3A_326 = vector.shape_cast %get3A_325 : vector<1x128xf32> to vector<1x128xf32>
    %broadcast_in_dim3A_327 = vector.broadcast %broadcast_in_dim3A_326 : vector<1x128xf32> to vector<64x128xf32>
    %mul3A_328 = arith.mulf %broadcast_in_dim3A_327, %dot_general3A_11 : vector<64x128xf32>
    %add3A_329 = arith.addf %broadcast_in_dim3A_7, %mul3A_328 : vector<64x128xf32>
    %get3A_330 = arith.constant 33 : index
    %get3A_331 = arith.constant 0 : index
    %get3A_332 = vector.load %arg2[%get3A_330, %get3A_331] : memref<256x128xf32, #tpu.memory_space<vmem>>, vector<1x128xf32>
    %broadcast_in_dim3A_333 = vector.shape_cast %get3A_332 : vector<1x128xf32> to vector<1x128xf32>
    %broadcast_in_dim3A_334 = vector.broadcast %broadcast_in_dim3A_333 : vector<1x128xf32> to vector<64x128xf32>
    %mul3A_335 = arith.mulf %broadcast_in_dim3A_334, %dot_general3A_16 : vector<64x128xf32>
    %add3A_336 = arith.addf %add3A_329, %mul3A_335 : vector<64x128xf32>
    %get3A_337 = arith.constant 34 : index
    %get3A_338 = arith.constant 0 : index
    %get3A_339 = vector.load %arg2[%get3A_337, %get3A_338] : memref<256x128xf32, #tpu.memory_space<vmem>>, vector<1x128xf32>
    %broadcast_in_dim3A_340 = vector.shape_cast %get3A_339 : vector<1x128xf32> to vector<1x128xf32>
    %broadcast_in_dim3A_341 = vector.broadcast %broadcast_in_dim3A_340 : vector<1x128xf32> to vector<64x128xf32>
    %mul3A_342 = arith.mulf %broadcast_in_dim3A_341, %dot_general3A_21 : vector<64x128xf32>
    %add3A_343 = arith.addf %add3A_336, %mul3A_342 : vector<64x128xf32>
    %get3A_344 = arith.constant 35 : index
    %get3A_345 = arith.constant 0 : index
    %get3A_346 = vector.load %arg2[%get3A_344, %get3A_345] : memref<256x128xf32, #tpu.memory_space<vmem>>, vector<1x128xf32>
    %broadcast_in_dim3A_347 = vector.shape_cast %get3A_346 : vector<1x128xf32> to vector<1x128xf32>
    %broadcast_in_dim3A_348 = vector.broadcast %broadcast_in_dim3A_347 : vector<1x128xf32> to vector<64x128xf32>
    %mul3A_349 = arith.mulf %broadcast_in_dim3A_348, %dot_general3A_26 : vector<64x128xf32>
    %add3A_350 = arith.addf %add3A_343, %mul3A_349 : vector<64x128xf32>
    %get3A_351 = arith.constant 36 : index
    %get3A_352 = arith.constant 0 : index
    %get3A_353 = vector.load %arg2[%get3A_351, %get3A_352] : memref<256x128xf32, #tpu.memory_space<vmem>>, vector<1x128xf32>
    %broadcast_in_dim3A_354 = vector.shape_cast %get3A_353 : vector<1x128xf32> to vector<1x128xf32>
    %broadcast_in_dim3A_355 = vector.broadcast %broadcast_in_dim3A_354 : vector<1x128xf32> to vector<64x128xf32>
    %mul3A_356 = arith.mulf %broadcast_in_dim3A_355, %dot_general3A_31 : vector<64x128xf32>
    %add3A_357 = arith.addf %add3A_350, %mul3A_356 : vector<64x128xf32>
    %get3A_358 = arith.constant 37 : index
    %get3A_359 = arith.constant 0 : index
    %get3A_360 = vector.load %arg2[%get3A_358, %get3A_359] : memref<256x128xf32, #tpu.memory_space<vmem>>, vector<1x128xf32>
    %broadcast_in_dim3A_361 = vector.shape_cast %get3A_360 : vector<1x128xf32> to vector<1x128xf32>
    %broadcast_in_dim3A_362 = vector.broadcast %broadcast_in_dim3A_361 : vector<1x128xf32> to vector<64x128xf32>
    %mul3A_363 = arith.mulf %broadcast_in_dim3A_362, %dot_general3A_36 : vector<64x128xf32>
    %add3A_364 = arith.addf %add3A_357, %mul3A_363 : vector<64x128xf32>
    %get3A_365 = arith.constant 38 : index
    %get3A_366 = arith.constant 0 : index
    %get3A_367 = vector.load %arg2[%get3A_365, %get3A_366] : memref<256x128xf32, #tpu.memory_space<vmem>>, vector<1x128xf32>
    %broadcast_in_dim3A_368 = vector.shape_cast %get3A_367 : vector<1x128xf32> to vector<1x128xf32>
    %broadcast_in_dim3A_369 = vector.broadcast %broadcast_in_dim3A_368 : vector<1x128xf32> to vector<64x128xf32>
    %mul3A_370 = arith.mulf %broadcast_in_dim3A_369, %dot_general3A_41 : vector<64x128xf32>
    %add3A_371 = arith.addf %add3A_364, %mul3A_370 : vector<64x128xf32>
    %get3A_372 = arith.constant 39 : index
    %get3A_373 = arith.constant 0 : index
    %get3A_374 = vector.load %arg2[%get3A_372, %get3A_373] : memref<256x128xf32, #tpu.memory_space<vmem>>, vector<1x128xf32>
    %broadcast_in_dim3A_375 = vector.shape_cast %get3A_374 : vector<1x128xf32> to vector<1x128xf32>
    %broadcast_in_dim3A_376 = vector.broadcast %broadcast_in_dim3A_375 : vector<1x128xf32> to vector<64x128xf32>
    %mul3A_377 = arith.mulf %broadcast_in_dim3A_376, %dot_general3A_46 : vector<64x128xf32>
    %add3A_378 = arith.addf %add3A_371, %mul3A_377 : vector<64x128xf32>
    %get3A_379 = arith.constant 40 : index
    %get3A_380 = arith.constant 0 : index
    %get3A_381 = vector.load %arg2[%get3A_379, %get3A_380] : memref<256x128xf32, #tpu.memory_space<vmem>>, vector<1x128xf32>
    %broadcast_in_dim3A_382 = vector.shape_cast %get3A_381 : vector<1x128xf32> to vector<1x128xf32>
    %broadcast_in_dim3A_383 = vector.broadcast %broadcast_in_dim3A_382 : vector<1x128xf32> to vector<64x128xf32>
    %mul3A_384 = arith.mulf %broadcast_in_dim3A_383, %dot_general3A_51 : vector<64x128xf32>
    %add3A_385 = arith.addf %add3A_378, %mul3A_384 : vector<64x128xf32>
    %get3A_386 = arith.constant 41 : index
    %get3A_387 = arith.constant 0 : index
    %get3A_388 = vector.load %arg2[%get3A_386, %get3A_387] : memref<256x128xf32, #tpu.memory_space<vmem>>, vector<1x128xf32>
    %broadcast_in_dim3A_389 = vector.shape_cast %get3A_388 : vector<1x128xf32> to vector<1x128xf32>
    %broadcast_in_dim3A_390 = vector.broadcast %broadcast_in_dim3A_389 : vector<1x128xf32> to vector<64x128xf32>
    %mul3A_391 = arith.mulf %broadcast_in_dim3A_390, %dot_general3A_56 : vector<64x128xf32>
    %add3A_392 = arith.addf %add3A_385, %mul3A_391 : vector<64x128xf32>
    %get3A_393 = arith.constant 42 : index
    %get3A_394 = arith.constant 0 : index
    %get3A_395 = vector.load %arg2[%get3A_393, %get3A_394] : memref<256x128xf32, #tpu.memory_space<vmem>>, vector<1x128xf32>
    %broadcast_in_dim3A_396 = vector.shape_cast %get3A_395 : vector<1x128xf32> to vector<1x128xf32>
    %broadcast_in_dim3A_397 = vector.broadcast %broadcast_in_dim3A_396 : vector<1x128xf32> to vector<64x128xf32>
    %mul3A_398 = arith.mulf %broadcast_in_dim3A_397, %dot_general3A_61 : vector<64x128xf32>
    %add3A_399 = arith.addf %add3A_392, %mul3A_398 : vector<64x128xf32>
    %get3A_400 = arith.constant 43 : index
    %get3A_401 = arith.constant 0 : index
    %get3A_402 = vector.load %arg2[%get3A_400, %get3A_401] : memref<256x128xf32, #tpu.memory_space<vmem>>, vector<1x128xf32>
    %broadcast_in_dim3A_403 = vector.shape_cast %get3A_402 : vector<1x128xf32> to vector<1x128xf32>
    %broadcast_in_dim3A_404 = vector.broadcast %broadcast_in_dim3A_403 : vector<1x128xf32> to vector<64x128xf32>
    %mul3A_405 = arith.mulf %broadcast_in_dim3A_404, %dot_general3A_66 : vector<64x128xf32>
    %add3A_406 = arith.addf %add3A_399, %mul3A_405 : vector<64x128xf32>
    %get3A_407 = arith.constant 44 : index
    %get3A_408 = arith.constant 0 : index
    %get3A_409 = vector.load %arg2[%get3A_407, %get3A_408] : memref<256x128xf32, #tpu.memory_space<vmem>>, vector<1x128xf32>
    %broadcast_in_dim3A_410 = vector.shape_cast %get3A_409 : vector<1x128xf32> to vector<1x128xf32>
    %broadcast_in_dim3A_411 = vector.broadcast %broadcast_in_dim3A_410 : vector<1x128xf32> to vector<64x128xf32>
    %mul3A_412 = arith.mulf %broadcast_in_dim3A_411, %dot_general3A_71 : vector<64x128xf32>
    %add3A_413 = arith.addf %add3A_406, %mul3A_412 : vector<64x128xf32>
    %get3A_414 = arith.constant 45 : index
    %get3A_415 = arith.constant 0 : index
    %get3A_416 = vector.load %arg2[%get3A_414, %get3A_415] : memref<256x128xf32, #tpu.memory_space<vmem>>, vector<1x128xf32>
    %broadcast_in_dim3A_417 = vector.shape_cast %get3A_416 : vector<1x128xf32> to vector<1x128xf32>
    %broadcast_in_dim3A_418 = vector.broadcast %broadcast_in_dim3A_417 : vector<1x128xf32> to vector<64x128xf32>
    %mul3A_419 = arith.mulf %broadcast_in_dim3A_418, %dot_general3A_76 : vector<64x128xf32>
    %add3A_420 = arith.addf %add3A_413, %mul3A_419 : vector<64x128xf32>
    %get3A_421 = arith.constant 46 : index
    %get3A_422 = arith.constant 0 : index
    %get3A_423 = vector.load %arg2[%get3A_421, %get3A_422] : memref<256x128xf32, #tpu.memory_space<vmem>>, vector<1x128xf32>
    %broadcast_in_dim3A_424 = vector.shape_cast %get3A_423 : vector<1x128xf32> to vector<1x128xf32>
    %broadcast_in_dim3A_425 = vector.broadcast %broadcast_in_dim3A_424 : vector<1x128xf32> to vector<64x128xf32>
    %mul3A_426 = arith.mulf %broadcast_in_dim3A_425, %dot_general3A_81 : vector<64x128xf32>
    %add3A_427 = arith.addf %add3A_420, %mul3A_426 : vector<64x128xf32>
    %get3A_428 = arith.constant 47 : index
    %get3A_429 = arith.constant 0 : index
    %get3A_430 = vector.load %arg2[%get3A_428, %get3A_429] : memref<256x128xf32, #tpu.memory_space<vmem>>, vector<1x128xf32>
    %broadcast_in_dim3A_431 = vector.shape_cast %get3A_430 : vector<1x128xf32> to vector<1x128xf32>
    %broadcast_in_dim3A_432 = vector.broadcast %broadcast_in_dim3A_431 : vector<1x128xf32> to vector<64x128xf32>
    %mul3A_433 = arith.mulf %broadcast_in_dim3A_432, %dot_general3A_86 : vector<64x128xf32>
    %add3A_434 = arith.addf %add3A_427, %mul3A_433 : vector<64x128xf32>
    %ge3A_435 = arith.constant 0.000000e+00 : f32
    %ge3A_436 = vector.broadcast %ge3A_435 : f32 to vector<64x128xf32>
    %ge3A_437 = arith.cmpf oge, %add3A_434, %ge3A_436 : vector<64x128xf32>
    %mul3A_438 = vector.broadcast %get3A_3 : f32 to vector<64x128xf32>
    %mul3A_439 = arith.mulf %mul3A_438, %add3A_434 : vector<64x128xf32>
    %select_n3A_440 = arith.select %ge3A_437, %add3A_434, %mul3A_439 : vector<64x128xi1>, vector<64x128xf32>
    %add3A_441 = arith.addf %add3A_322, %select_n3A_440 : vector<64x128xf32>
    %get3A_442 = arith.constant 48 : index
    %get3A_443 = arith.constant 0 : index
    %get3A_444 = vector.load %arg2[%get3A_442, %get3A_443] : memref<256x128xf32, #tpu.memory_space<vmem>>, vector<1x128xf32>
    %broadcast_in_dim3A_445 = vector.shape_cast %get3A_444 : vector<1x128xf32> to vector<1x128xf32>
    %broadcast_in_dim3A_446 = vector.broadcast %broadcast_in_dim3A_445 : vector<1x128xf32> to vector<64x128xf32>
    %mul3A_447 = arith.mulf %broadcast_in_dim3A_446, %dot_general3A_11 : vector<64x128xf32>
    %add3A_448 = arith.addf %broadcast_in_dim3A_7, %mul3A_447 : vector<64x128xf32>
    %get3A_449 = arith.constant 49 : index
    %get3A_450 = arith.constant 0 : index
    %get3A_451 = vector.load %arg2[%get3A_449, %get3A_450] : memref<256x128xf32, #tpu.memory_space<vmem>>, vector<1x128xf32>
    %broadcast_in_dim3A_452 = vector.shape_cast %get3A_451 : vector<1x128xf32> to vector<1x128xf32>
    %broadcast_in_dim3A_453 = vector.broadcast %broadcast_in_dim3A_452 : vector<1x128xf32> to vector<64x128xf32>
    %mul3A_454 = arith.mulf %broadcast_in_dim3A_453, %dot_general3A_16 : vector<64x128xf32>
    %add3A_455 = arith.addf %add3A_448, %mul3A_454 : vector<64x128xf32>
    %get3A_456 = arith.constant 50 : index
    %get3A_457 = arith.constant 0 : index
    %get3A_458 = vector.load %arg2[%get3A_456, %get3A_457] : memref<256x128xf32, #tpu.memory_space<vmem>>, vector<1x128xf32>
    %broadcast_in_dim3A_459 = vector.shape_cast %get3A_458 : vector<1x128xf32> to vector<1x128xf32>
    %broadcast_in_dim3A_460 = vector.broadcast %broadcast_in_dim3A_459 : vector<1x128xf32> to vector<64x128xf32>
    %mul3A_461 = arith.mulf %broadcast_in_dim3A_460, %dot_general3A_21 : vector<64x128xf32>
    %add3A_462 = arith.addf %add3A_455, %mul3A_461 : vector<64x128xf32>
    %get3A_463 = arith.constant 51 : index
    %get3A_464 = arith.constant 0 : index
    %get3A_465 = vector.load %arg2[%get3A_463, %get3A_464] : memref<256x128xf32, #tpu.memory_space<vmem>>, vector<1x128xf32>
    %broadcast_in_dim3A_466 = vector.shape_cast %get3A_465 : vector<1x128xf32> to vector<1x128xf32>
    %broadcast_in_dim3A_467 = vector.broadcast %broadcast_in_dim3A_466 : vector<1x128xf32> to vector<64x128xf32>
    %mul3A_468 = arith.mulf %broadcast_in_dim3A_467, %dot_general3A_26 : vector<64x128xf32>
    %add3A_469 = arith.addf %add3A_462, %mul3A_468 : vector<64x128xf32>
    %get3A_470 = arith.constant 52 : index
    %get3A_471 = arith.constant 0 : index
    %get3A_472 = vector.load %arg2[%get3A_470, %get3A_471] : memref<256x128xf32, #tpu.memory_space<vmem>>, vector<1x128xf32>
    %broadcast_in_dim3A_473 = vector.shape_cast %get3A_472 : vector<1x128xf32> to vector<1x128xf32>
    %broadcast_in_dim3A_474 = vector.broadcast %broadcast_in_dim3A_473 : vector<1x128xf32> to vector<64x128xf32>
    %mul3A_475 = arith.mulf %broadcast_in_dim3A_474, %dot_general3A_31 : vector<64x128xf32>
    %add3A_476 = arith.addf %add3A_469, %mul3A_475 : vector<64x128xf32>
    %get3A_477 = arith.constant 53 : index
    %get3A_478 = arith.constant 0 : index
    %get3A_479 = vector.load %arg2[%get3A_477, %get3A_478] : memref<256x128xf32, #tpu.memory_space<vmem>>, vector<1x128xf32>
    %broadcast_in_dim3A_480 = vector.shape_cast %get3A_479 : vector<1x128xf32> to vector<1x128xf32>
    %broadcast_in_dim3A_481 = vector.broadcast %broadcast_in_dim3A_480 : vector<1x128xf32> to vector<64x128xf32>
    %mul3A_482 = arith.mulf %broadcast_in_dim3A_481, %dot_general3A_36 : vector<64x128xf32>
    %add3A_483 = arith.addf %add3A_476, %mul3A_482 : vector<64x128xf32>
    %get3A_484 = arith.constant 54 : index
    %get3A_485 = arith.constant 0 : index
    %get3A_486 = vector.load %arg2[%get3A_484, %get3A_485] : memref<256x128xf32, #tpu.memory_space<vmem>>, vector<1x128xf32>
    %broadcast_in_dim3A_487 = vector.shape_cast %get3A_486 : vector<1x128xf32> to vector<1x128xf32>
    %broadcast_in_dim3A_488 = vector.broadcast %broadcast_in_dim3A_487 : vector<1x128xf32> to vector<64x128xf32>
    %mul3A_489 = arith.mulf %broadcast_in_dim3A_488, %dot_general3A_41 : vector<64x128xf32>
    %add3A_490 = arith.addf %add3A_483, %mul3A_489 : vector<64x128xf32>
    %get3A_491 = arith.constant 55 : index
    %get3A_492 = arith.constant 0 : index
    %get3A_493 = vector.load %arg2[%get3A_491, %get3A_492] : memref<256x128xf32, #tpu.memory_space<vmem>>, vector<1x128xf32>
    %broadcast_in_dim3A_494 = vector.shape_cast %get3A_493 : vector<1x128xf32> to vector<1x128xf32>
    %broadcast_in_dim3A_495 = vector.broadcast %broadcast_in_dim3A_494 : vector<1x128xf32> to vector<64x128xf32>
    %mul3A_496 = arith.mulf %broadcast_in_dim3A_495, %dot_general3A_46 : vector<64x128xf32>
    %add3A_497 = arith.addf %add3A_490, %mul3A_496 : vector<64x128xf32>
    %get3A_498 = arith.constant 56 : index
    %get3A_499 = arith.constant 0 : index
    %get3A_500 = vector.load %arg2[%get3A_498, %get3A_499] : memref<256x128xf32, #tpu.memory_space<vmem>>, vector<1x128xf32>
    %broadcast_in_dim3A_501 = vector.shape_cast %get3A_500 : vector<1x128xf32> to vector<1x128xf32>
    %broadcast_in_dim3A_502 = vector.broadcast %broadcast_in_dim3A_501 : vector<1x128xf32> to vector<64x128xf32>
    %mul3A_503 = arith.mulf %broadcast_in_dim3A_502, %dot_general3A_51 : vector<64x128xf32>
    %add3A_504 = arith.addf %add3A_497, %mul3A_503 : vector<64x128xf32>
    %get3A_505 = arith.constant 57 : index
    %get3A_506 = arith.constant 0 : index
    %get3A_507 = vector.load %arg2[%get3A_505, %get3A_506] : memref<256x128xf32, #tpu.memory_space<vmem>>, vector<1x128xf32>
    %broadcast_in_dim3A_508 = vector.shape_cast %get3A_507 : vector<1x128xf32> to vector<1x128xf32>
    %broadcast_in_dim3A_509 = vector.broadcast %broadcast_in_dim3A_508 : vector<1x128xf32> to vector<64x128xf32>
    %mul3A_510 = arith.mulf %broadcast_in_dim3A_509, %dot_general3A_56 : vector<64x128xf32>
    %add3A_511 = arith.addf %add3A_504, %mul3A_510 : vector<64x128xf32>
    %get3A_512 = arith.constant 58 : index
    %get3A_513 = arith.constant 0 : index
    %get3A_514 = vector.load %arg2[%get3A_512, %get3A_513] : memref<256x128xf32, #tpu.memory_space<vmem>>, vector<1x128xf32>
    %broadcast_in_dim3A_515 = vector.shape_cast %get3A_514 : vector<1x128xf32> to vector<1x128xf32>
    %broadcast_in_dim3A_516 = vector.broadcast %broadcast_in_dim3A_515 : vector<1x128xf32> to vector<64x128xf32>
    %mul3A_517 = arith.mulf %broadcast_in_dim3A_516, %dot_general3A_61 : vector<64x128xf32>
    %add3A_518 = arith.addf %add3A_511, %mul3A_517 : vector<64x128xf32>
    %get3A_519 = arith.constant 59 : index
    %get3A_520 = arith.constant 0 : index
    %get3A_521 = vector.load %arg2[%get3A_519, %get3A_520] : memref<256x128xf32, #tpu.memory_space<vmem>>, vector<1x128xf32>
    %broadcast_in_dim3A_522 = vector.shape_cast %get3A_521 : vector<1x128xf32> to vector<1x128xf32>
    %broadcast_in_dim3A_523 = vector.broadcast %broadcast_in_dim3A_522 : vector<1x128xf32> to vector<64x128xf32>
    %mul3A_524 = arith.mulf %broadcast_in_dim3A_523, %dot_general3A_66 : vector<64x128xf32>
    %add3A_525 = arith.addf %add3A_518, %mul3A_524 : vector<64x128xf32>
    %get3A_526 = arith.constant 60 : index
    %get3A_527 = arith.constant 0 : index
    %get3A_528 = vector.load %arg2[%get3A_526, %get3A_527] : memref<256x128xf32, #tpu.memory_space<vmem>>, vector<1x128xf32>
    %broadcast_in_dim3A_529 = vector.shape_cast %get3A_528 : vector<1x128xf32> to vector<1x128xf32>
    %broadcast_in_dim3A_530 = vector.broadcast %broadcast_in_dim3A_529 : vector<1x128xf32> to vector<64x128xf32>
    %mul3A_531 = arith.mulf %broadcast_in_dim3A_530, %dot_general3A_71 : vector<64x128xf32>
    %add3A_532 = arith.addf %add3A_525, %mul3A_531 : vector<64x128xf32>
    %get3A_533 = arith.constant 61 : index
    %get3A_534 = arith.constant 0 : index
    %get3A_535 = vector.load %arg2[%get3A_533, %get3A_534] : memref<256x128xf32, #tpu.memory_space<vmem>>, vector<1x128xf32>
    %broadcast_in_dim3A_536 = vector.shape_cast %get3A_535 : vector<1x128xf32> to vector<1x128xf32>
    %broadcast_in_dim3A_537 = vector.broadcast %broadcast_in_dim3A_536 : vector<1x128xf32> to vector<64x128xf32>
    %mul3A_538 = arith.mulf %broadcast_in_dim3A_537, %dot_general3A_76 : vector<64x128xf32>
    %add3A_539 = arith.addf %add3A_532, %mul3A_538 : vector<64x128xf32>
    %get3A_540 = arith.constant 62 : index
    %get3A_541 = arith.constant 0 : index
    %get3A_542 = vector.load %arg2[%get3A_540, %get3A_541] : memref<256x128xf32, #tpu.memory_space<vmem>>, vector<1x128xf32>
    %broadcast_in_dim3A_543 = vector.shape_cast %get3A_542 : vector<1x128xf32> to vector<1x128xf32>
    %broadcast_in_dim3A_544 = vector.broadcast %broadcast_in_dim3A_543 : vector<1x128xf32> to vector<64x128xf32>
    %mul3A_545 = arith.mulf %broadcast_in_dim3A_544, %dot_general3A_81 : vector<64x128xf32>
    %add3A_546 = arith.addf %add3A_539, %mul3A_545 : vector<64x128xf32>
    %get3A_547 = arith.constant 63 : index
    %get3A_548 = arith.constant 0 : index
    %get3A_549 = vector.load %arg2[%get3A_547, %get3A_548] : memref<256x128xf32, #tpu.memory_space<vmem>>, vector<1x128xf32>
    %broadcast_in_dim3A_550 = vector.shape_cast %get3A_549 : vector<1x128xf32> to vector<1x128xf32>
    %broadcast_in_dim3A_551 = vector.broadcast %broadcast_in_dim3A_550 : vector<1x128xf32> to vector<64x128xf32>
    %mul3A_552 = arith.mulf %broadcast_in_dim3A_551, %dot_general3A_86 : vector<64x128xf32>
    %add3A_553 = arith.addf %add3A_546, %mul3A_552 : vector<64x128xf32>
    %ge3A_554 = arith.constant 0.000000e+00 : f32
    %ge3A_555 = vector.broadcast %ge3A_554 : f32 to vector<64x128xf32>
    %ge3A_556 = arith.cmpf oge, %add3A_553, %ge3A_555 : vector<64x128xf32>
    %mul3A_557 = vector.broadcast %get3A_3 : f32 to vector<64x128xf32>
    %mul3A_558 = arith.mulf %mul3A_557, %add3A_553 : vector<64x128xf32>
    %select_n3A_559 = arith.select %ge3A_556, %add3A_553, %mul3A_558 : vector<64x128xi1>, vector<64x128xf32>
    %add3A_560 = arith.addf %add3A_441, %select_n3A_559 : vector<64x128xf32>
    %get3A_561 = arith.constant 64 : index
    %get3A_562 = arith.constant 0 : index
    %get3A_563 = vector.load %arg2[%get3A_561, %get3A_562] : memref<256x128xf32, #tpu.memory_space<vmem>>, vector<1x128xf32>
    %broadcast_in_dim3A_564 = vector.shape_cast %get3A_563 : vector<1x128xf32> to vector<1x128xf32>
    %broadcast_in_dim3A_565 = vector.broadcast %broadcast_in_dim3A_564 : vector<1x128xf32> to vector<64x128xf32>
    %mul3A_566 = arith.mulf %broadcast_in_dim3A_565, %dot_general3A_11 : vector<64x128xf32>
    %add3A_567 = arith.addf %broadcast_in_dim3A_7, %mul3A_566 : vector<64x128xf32>
    %get3A_568 = arith.constant 65 : index
    %get3A_569 = arith.constant 0 : index
    %get3A_570 = vector.load %arg2[%get3A_568, %get3A_569] : memref<256x128xf32, #tpu.memory_space<vmem>>, vector<1x128xf32>
    %broadcast_in_dim3A_571 = vector.shape_cast %get3A_570 : vector<1x128xf32> to vector<1x128xf32>
    %broadcast_in_dim3A_572 = vector.broadcast %broadcast_in_dim3A_571 : vector<1x128xf32> to vector<64x128xf32>
    %mul3A_573 = arith.mulf %broadcast_in_dim3A_572, %dot_general3A_16 : vector<64x128xf32>
    %add3A_574 = arith.addf %add3A_567, %mul3A_573 : vector<64x128xf32>
    %get3A_575 = arith.constant 66 : index
    %get3A_576 = arith.constant 0 : index
    %get3A_577 = vector.load %arg2[%get3A_575, %get3A_576] : memref<256x128xf32, #tpu.memory_space<vmem>>, vector<1x128xf32>
    %broadcast_in_dim3A_578 = vector.shape_cast %get3A_577 : vector<1x128xf32> to vector<1x128xf32>
    %broadcast_in_dim3A_579 = vector.broadcast %broadcast_in_dim3A_578 : vector<1x128xf32> to vector<64x128xf32>
    %mul3A_580 = arith.mulf %broadcast_in_dim3A_579, %dot_general3A_21 : vector<64x128xf32>
    %add3A_581 = arith.addf %add3A_574, %mul3A_580 : vector<64x128xf32>
    %get3A_582 = arith.constant 67 : index
    %get3A_583 = arith.constant 0 : index
    %get3A_584 = vector.load %arg2[%get3A_582, %get3A_583] : memref<256x128xf32, #tpu.memory_space<vmem>>, vector<1x128xf32>
    %broadcast_in_dim3A_585 = vector.shape_cast %get3A_584 : vector<1x128xf32> to vector<1x128xf32>
    %broadcast_in_dim3A_586 = vector.broadcast %broadcast_in_dim3A_585 : vector<1x128xf32> to vector<64x128xf32>
    %mul3A_587 = arith.mulf %broadcast_in_dim3A_586, %dot_general3A_26 : vector<64x128xf32>
    %add3A_588 = arith.addf %add3A_581, %mul3A_587 : vector<64x128xf32>
    %get3A_589 = arith.constant 68 : index
    %get3A_590 = arith.constant 0 : index
    %get3A_591 = vector.load %arg2[%get3A_589, %get3A_590] : memref<256x128xf32, #tpu.memory_space<vmem>>, vector<1x128xf32>
    %broadcast_in_dim3A_592 = vector.shape_cast %get3A_591 : vector<1x128xf32> to vector<1x128xf32>
    %broadcast_in_dim3A_593 = vector.broadcast %broadcast_in_dim3A_592 : vector<1x128xf32> to vector<64x128xf32>
    %mul3A_594 = arith.mulf %broadcast_in_dim3A_593, %dot_general3A_31 : vector<64x128xf32>
    %add3A_595 = arith.addf %add3A_588, %mul3A_594 : vector<64x128xf32>
    %get3A_596 = arith.constant 69 : index
    %get3A_597 = arith.constant 0 : index
    %get3A_598 = vector.load %arg2[%get3A_596, %get3A_597] : memref<256x128xf32, #tpu.memory_space<vmem>>, vector<1x128xf32>
    %broadcast_in_dim3A_599 = vector.shape_cast %get3A_598 : vector<1x128xf32> to vector<1x128xf32>
    %broadcast_in_dim3A_600 = vector.broadcast %broadcast_in_dim3A_599 : vector<1x128xf32> to vector<64x128xf32>
    %mul3A_601 = arith.mulf %broadcast_in_dim3A_600, %dot_general3A_36 : vector<64x128xf32>
    %add3A_602 = arith.addf %add3A_595, %mul3A_601 : vector<64x128xf32>
    %get3A_603 = arith.constant 70 : index
    %get3A_604 = arith.constant 0 : index
    %get3A_605 = vector.load %arg2[%get3A_603, %get3A_604] : memref<256x128xf32, #tpu.memory_space<vmem>>, vector<1x128xf32>
    %broadcast_in_dim3A_606 = vector.shape_cast %get3A_605 : vector<1x128xf32> to vector<1x128xf32>
    %broadcast_in_dim3A_607 = vector.broadcast %broadcast_in_dim3A_606 : vector<1x128xf32> to vector<64x128xf32>
    %mul3A_608 = arith.mulf %broadcast_in_dim3A_607, %dot_general3A_41 : vector<64x128xf32>
    %add3A_609 = arith.addf %add3A_602, %mul3A_608 : vector<64x128xf32>
    %get3A_610 = arith.constant 71 : index
    %get3A_611 = arith.constant 0 : index
    %get3A_612 = vector.load %arg2[%get3A_610, %get3A_611] : memref<256x128xf32, #tpu.memory_space<vmem>>, vector<1x128xf32>
    %broadcast_in_dim3A_613 = vector.shape_cast %get3A_612 : vector<1x128xf32> to vector<1x128xf32>
    %broadcast_in_dim3A_614 = vector.broadcast %broadcast_in_dim3A_613 : vector<1x128xf32> to vector<64x128xf32>
    %mul3A_615 = arith.mulf %broadcast_in_dim3A_614, %dot_general3A_46 : vector<64x128xf32>
    %add3A_616 = arith.addf %add3A_609, %mul3A_615 : vector<64x128xf32>
    %get3A_617 = arith.constant 72 : index
    %get3A_618 = arith.constant 0 : index
    %get3A_619 = vector.load %arg2[%get3A_617, %get3A_618] : memref<256x128xf32, #tpu.memory_space<vmem>>, vector<1x128xf32>
    %broadcast_in_dim3A_620 = vector.shape_cast %get3A_619 : vector<1x128xf32> to vector<1x128xf32>
    %broadcast_in_dim3A_621 = vector.broadcast %broadcast_in_dim3A_620 : vector<1x128xf32> to vector<64x128xf32>
    %mul3A_622 = arith.mulf %broadcast_in_dim3A_621, %dot_general3A_51 : vector<64x128xf32>
    %add3A_623 = arith.addf %add3A_616, %mul3A_622 : vector<64x128xf32>
    %get3A_624 = arith.constant 73 : index
    %get3A_625 = arith.constant 0 : index
    %get3A_626 = vector.load %arg2[%get3A_624, %get3A_625] : memref<256x128xf32, #tpu.memory_space<vmem>>, vector<1x128xf32>
    %broadcast_in_dim3A_627 = vector.shape_cast %get3A_626 : vector<1x128xf32> to vector<1x128xf32>
    %broadcast_in_dim3A_628 = vector.broadcast %broadcast_in_dim3A_627 : vector<1x128xf32> to vector<64x128xf32>
    %mul3A_629 = arith.mulf %broadcast_in_dim3A_628, %dot_general3A_56 : vector<64x128xf32>
    %add3A_630 = arith.addf %add3A_623, %mul3A_629 : vector<64x128xf32>
    %get3A_631 = arith.constant 74 : index
    %get3A_632 = arith.constant 0 : index
    %get3A_633 = vector.load %arg2[%get3A_631, %get3A_632] : memref<256x128xf32, #tpu.memory_space<vmem>>, vector<1x128xf32>
    %broadcast_in_dim3A_634 = vector.shape_cast %get3A_633 : vector<1x128xf32> to vector<1x128xf32>
    %broadcast_in_dim3A_635 = vector.broadcast %broadcast_in_dim3A_634 : vector<1x128xf32> to vector<64x128xf32>
    %mul3A_636 = arith.mulf %broadcast_in_dim3A_635, %dot_general3A_61 : vector<64x128xf32>
    %add3A_637 = arith.addf %add3A_630, %mul3A_636 : vector<64x128xf32>
    %get3A_638 = arith.constant 75 : index
    %get3A_639 = arith.constant 0 : index
    %get3A_640 = vector.load %arg2[%get3A_638, %get3A_639] : memref<256x128xf32, #tpu.memory_space<vmem>>, vector<1x128xf32>
    %broadcast_in_dim3A_641 = vector.shape_cast %get3A_640 : vector<1x128xf32> to vector<1x128xf32>
    %broadcast_in_dim3A_642 = vector.broadcast %broadcast_in_dim3A_641 : vector<1x128xf32> to vector<64x128xf32>
    %mul3A_643 = arith.mulf %broadcast_in_dim3A_642, %dot_general3A_66 : vector<64x128xf32>
    %add3A_644 = arith.addf %add3A_637, %mul3A_643 : vector<64x128xf32>
    %get3A_645 = arith.constant 76 : index
    %get3A_646 = arith.constant 0 : index
    %get3A_647 = vector.load %arg2[%get3A_645, %get3A_646] : memref<256x128xf32, #tpu.memory_space<vmem>>, vector<1x128xf32>
    %broadcast_in_dim3A_648 = vector.shape_cast %get3A_647 : vector<1x128xf32> to vector<1x128xf32>
    %broadcast_in_dim3A_649 = vector.broadcast %broadcast_in_dim3A_648 : vector<1x128xf32> to vector<64x128xf32>
    %mul3A_650 = arith.mulf %broadcast_in_dim3A_649, %dot_general3A_71 : vector<64x128xf32>
    %add3A_651 = arith.addf %add3A_644, %mul3A_650 : vector<64x128xf32>
    %get3A_652 = arith.constant 77 : index
    %get3A_653 = arith.constant 0 : index
    %get3A_654 = vector.load %arg2[%get3A_652, %get3A_653] : memref<256x128xf32, #tpu.memory_space<vmem>>, vector<1x128xf32>
    %broadcast_in_dim3A_655 = vector.shape_cast %get3A_654 : vector<1x128xf32> to vector<1x128xf32>
    %broadcast_in_dim3A_656 = vector.broadcast %broadcast_in_dim3A_655 : vector<1x128xf32> to vector<64x128xf32>
    %mul3A_657 = arith.mulf %broadcast_in_dim3A_656, %dot_general3A_76 : vector<64x128xf32>
    %add3A_658 = arith.addf %add3A_651, %mul3A_657 : vector<64x128xf32>
    %get3A_659 = arith.constant 78 : index
    %get3A_660 = arith.constant 0 : index
    %get3A_661 = vector.load %arg2[%get3A_659, %get3A_660] : memref<256x128xf32, #tpu.memory_space<vmem>>, vector<1x128xf32>
    %broadcast_in_dim3A_662 = vector.shape_cast %get3A_661 : vector<1x128xf32> to vector<1x128xf32>
    %broadcast_in_dim3A_663 = vector.broadcast %broadcast_in_dim3A_662 : vector<1x128xf32> to vector<64x128xf32>
    %mul3A_664 = arith.mulf %broadcast_in_dim3A_663, %dot_general3A_81 : vector<64x128xf32>
    %add3A_665 = arith.addf %add3A_658, %mul3A_664 : vector<64x128xf32>
    %get3A_666 = arith.constant 79 : index
    %get3A_667 = arith.constant 0 : index
    %get3A_668 = vector.load %arg2[%get3A_666, %get3A_667] : memref<256x128xf32, #tpu.memory_space<vmem>>, vector<1x128xf32>
    %broadcast_in_dim3A_669 = vector.shape_cast %get3A_668 : vector<1x128xf32> to vector<1x128xf32>
    %broadcast_in_dim3A_670 = vector.broadcast %broadcast_in_dim3A_669 : vector<1x128xf32> to vector<64x128xf32>
    %mul3A_671 = arith.mulf %broadcast_in_dim3A_670, %dot_general3A_86 : vector<64x128xf32>
    %add3A_672 = arith.addf %add3A_665, %mul3A_671 : vector<64x128xf32>
    %ge3A_673 = arith.constant 0.000000e+00 : f32
    %ge3A_674 = vector.broadcast %ge3A_673 : f32 to vector<64x128xf32>
    %ge3A_675 = arith.cmpf oge, %add3A_672, %ge3A_674 : vector<64x128xf32>
    %mul3A_676 = vector.broadcast %get3A_3 : f32 to vector<64x128xf32>
    %mul3A_677 = arith.mulf %mul3A_676, %add3A_672 : vector<64x128xf32>
    %select_n3A_678 = arith.select %ge3A_675, %add3A_672, %mul3A_677 : vector<64x128xi1>, vector<64x128xf32>
    %add3A_679 = arith.addf %add3A_560, %select_n3A_678 : vector<64x128xf32>
    %get3A_680 = arith.constant 80 : index
    %get3A_681 = arith.constant 0 : index
    %get3A_682 = vector.load %arg2[%get3A_680, %get3A_681] : memref<256x128xf32, #tpu.memory_space<vmem>>, vector<1x128xf32>
    %broadcast_in_dim3A_683 = vector.shape_cast %get3A_682 : vector<1x128xf32> to vector<1x128xf32>
    %broadcast_in_dim3A_684 = vector.broadcast %broadcast_in_dim3A_683 : vector<1x128xf32> to vector<64x128xf32>
    %mul3A_685 = arith.mulf %broadcast_in_dim3A_684, %dot_general3A_11 : vector<64x128xf32>
    %add3A_686 = arith.addf %broadcast_in_dim3A_7, %mul3A_685 : vector<64x128xf32>
    %get3A_687 = arith.constant 81 : index
    %get3A_688 = arith.constant 0 : index
    %get3A_689 = vector.load %arg2[%get3A_687, %get3A_688] : memref<256x128xf32, #tpu.memory_space<vmem>>, vector<1x128xf32>
    %broadcast_in_dim3A_690 = vector.shape_cast %get3A_689 : vector<1x128xf32> to vector<1x128xf32>
    %broadcast_in_dim3A_691 = vector.broadcast %broadcast_in_dim3A_690 : vector<1x128xf32> to vector<64x128xf32>
    %mul3A_692 = arith.mulf %broadcast_in_dim3A_691, %dot_general3A_16 : vector<64x128xf32>
    %add3A_693 = arith.addf %add3A_686, %mul3A_692 : vector<64x128xf32>
    %get3A_694 = arith.constant 82 : index
    %get3A_695 = arith.constant 0 : index
    %get3A_696 = vector.load %arg2[%get3A_694, %get3A_695] : memref<256x128xf32, #tpu.memory_space<vmem>>, vector<1x128xf32>
    %broadcast_in_dim3A_697 = vector.shape_cast %get3A_696 : vector<1x128xf32> to vector<1x128xf32>
    %broadcast_in_dim3A_698 = vector.broadcast %broadcast_in_dim3A_697 : vector<1x128xf32> to vector<64x128xf32>
    %mul3A_699 = arith.mulf %broadcast_in_dim3A_698, %dot_general3A_21 : vector<64x128xf32>
    %add3A_700 = arith.addf %add3A_693, %mul3A_699 : vector<64x128xf32>
    %get3A_701 = arith.constant 83 : index
    %get3A_702 = arith.constant 0 : index
    %get3A_703 = vector.load %arg2[%get3A_701, %get3A_702] : memref<256x128xf32, #tpu.memory_space<vmem>>, vector<1x128xf32>
    %broadcast_in_dim3A_704 = vector.shape_cast %get3A_703 : vector<1x128xf32> to vector<1x128xf32>
    %broadcast_in_dim3A_705 = vector.broadcast %broadcast_in_dim3A_704 : vector<1x128xf32> to vector<64x128xf32>
    %mul3A_706 = arith.mulf %broadcast_in_dim3A_705, %dot_general3A_26 : vector<64x128xf32>
    %add3A_707 = arith.addf %add3A_700, %mul3A_706 : vector<64x128xf32>
    %get3A_708 = arith.constant 84 : index
    %get3A_709 = arith.constant 0 : index
    %get3A_710 = vector.load %arg2[%get3A_708, %get3A_709] : memref<256x128xf32, #tpu.memory_space<vmem>>, vector<1x128xf32>
    %broadcast_in_dim3A_711 = vector.shape_cast %get3A_710 : vector<1x128xf32> to vector<1x128xf32>
    %broadcast_in_dim3A_712 = vector.broadcast %broadcast_in_dim3A_711 : vector<1x128xf32> to vector<64x128xf32>
    %mul3A_713 = arith.mulf %broadcast_in_dim3A_712, %dot_general3A_31 : vector<64x128xf32>
    %add3A_714 = arith.addf %add3A_707, %mul3A_713 : vector<64x128xf32>
    %get3A_715 = arith.constant 85 : index
    %get3A_716 = arith.constant 0 : index
    %get3A_717 = vector.load %arg2[%get3A_715, %get3A_716] : memref<256x128xf32, #tpu.memory_space<vmem>>, vector<1x128xf32>
    %broadcast_in_dim3A_718 = vector.shape_cast %get3A_717 : vector<1x128xf32> to vector<1x128xf32>
    %broadcast_in_dim3A_719 = vector.broadcast %broadcast_in_dim3A_718 : vector<1x128xf32> to vector<64x128xf32>
    %mul3A_720 = arith.mulf %broadcast_in_dim3A_719, %dot_general3A_36 : vector<64x128xf32>
    %add3A_721 = arith.addf %add3A_714, %mul3A_720 : vector<64x128xf32>
    %get3A_722 = arith.constant 86 : index
    %get3A_723 = arith.constant 0 : index
    %get3A_724 = vector.load %arg2[%get3A_722, %get3A_723] : memref<256x128xf32, #tpu.memory_space<vmem>>, vector<1x128xf32>
    %broadcast_in_dim3A_725 = vector.shape_cast %get3A_724 : vector<1x128xf32> to vector<1x128xf32>
    %broadcast_in_dim3A_726 = vector.broadcast %broadcast_in_dim3A_725 : vector<1x128xf32> to vector<64x128xf32>
    %mul3A_727 = arith.mulf %broadcast_in_dim3A_726, %dot_general3A_41 : vector<64x128xf32>
    %add3A_728 = arith.addf %add3A_721, %mul3A_727 : vector<64x128xf32>
    %get3A_729 = arith.constant 87 : index
    %get3A_730 = arith.constant 0 : index
    %get3A_731 = vector.load %arg2[%get3A_729, %get3A_730] : memref<256x128xf32, #tpu.memory_space<vmem>>, vector<1x128xf32>
    %broadcast_in_dim3A_732 = vector.shape_cast %get3A_731 : vector<1x128xf32> to vector<1x128xf32>
    %broadcast_in_dim3A_733 = vector.broadcast %broadcast_in_dim3A_732 : vector<1x128xf32> to vector<64x128xf32>
    %mul3A_734 = arith.mulf %broadcast_in_dim3A_733, %dot_general3A_46 : vector<64x128xf32>
    %add3A_735 = arith.addf %add3A_728, %mul3A_734 : vector<64x128xf32>
    %get3A_736 = arith.constant 88 : index
    %get3A_737 = arith.constant 0 : index
    %get3A_738 = vector.load %arg2[%get3A_736, %get3A_737] : memref<256x128xf32, #tpu.memory_space<vmem>>, vector<1x128xf32>
    %broadcast_in_dim3A_739 = vector.shape_cast %get3A_738 : vector<1x128xf32> to vector<1x128xf32>
    %broadcast_in_dim3A_740 = vector.broadcast %broadcast_in_dim3A_739 : vector<1x128xf32> to vector<64x128xf32>
    %mul3A_741 = arith.mulf %broadcast_in_dim3A_740, %dot_general3A_51 : vector<64x128xf32>
    %add3A_742 = arith.addf %add3A_735, %mul3A_741 : vector<64x128xf32>
    %get3A_743 = arith.constant 89 : index
    %get3A_744 = arith.constant 0 : index
    %get3A_745 = vector.load %arg2[%get3A_743, %get3A_744] : memref<256x128xf32, #tpu.memory_space<vmem>>, vector<1x128xf32>
    %broadcast_in_dim3A_746 = vector.shape_cast %get3A_745 : vector<1x128xf32> to vector<1x128xf32>
    %broadcast_in_dim3A_747 = vector.broadcast %broadcast_in_dim3A_746 : vector<1x128xf32> to vector<64x128xf32>
    %mul3A_748 = arith.mulf %broadcast_in_dim3A_747, %dot_general3A_56 : vector<64x128xf32>
    %add3A_749 = arith.addf %add3A_742, %mul3A_748 : vector<64x128xf32>
    %get3A_750 = arith.constant 90 : index
    %get3A_751 = arith.constant 0 : index
    %get3A_752 = vector.load %arg2[%get3A_750, %get3A_751] : memref<256x128xf32, #tpu.memory_space<vmem>>, vector<1x128xf32>
    %broadcast_in_dim3A_753 = vector.shape_cast %get3A_752 : vector<1x128xf32> to vector<1x128xf32>
    %broadcast_in_dim3A_754 = vector.broadcast %broadcast_in_dim3A_753 : vector<1x128xf32> to vector<64x128xf32>
    %mul3A_755 = arith.mulf %broadcast_in_dim3A_754, %dot_general3A_61 : vector<64x128xf32>
    %add3A_756 = arith.addf %add3A_749, %mul3A_755 : vector<64x128xf32>
    %get3A_757 = arith.constant 91 : index
    %get3A_758 = arith.constant 0 : index
    %get3A_759 = vector.load %arg2[%get3A_757, %get3A_758] : memref<256x128xf32, #tpu.memory_space<vmem>>, vector<1x128xf32>
    %broadcast_in_dim3A_760 = vector.shape_cast %get3A_759 : vector<1x128xf32> to vector<1x128xf32>
    %broadcast_in_dim3A_761 = vector.broadcast %broadcast_in_dim3A_760 : vector<1x128xf32> to vector<64x128xf32>
    %mul3A_762 = arith.mulf %broadcast_in_dim3A_761, %dot_general3A_66 : vector<64x128xf32>
    %add3A_763 = arith.addf %add3A_756, %mul3A_762 : vector<64x128xf32>
    %get3A_764 = arith.constant 92 : index
    %get3A_765 = arith.constant 0 : index
    %get3A_766 = vector.load %arg2[%get3A_764, %get3A_765] : memref<256x128xf32, #tpu.memory_space<vmem>>, vector<1x128xf32>
    %broadcast_in_dim3A_767 = vector.shape_cast %get3A_766 : vector<1x128xf32> to vector<1x128xf32>
    %broadcast_in_dim3A_768 = vector.broadcast %broadcast_in_dim3A_767 : vector<1x128xf32> to vector<64x128xf32>
    %mul3A_769 = arith.mulf %broadcast_in_dim3A_768, %dot_general3A_71 : vector<64x128xf32>
    %add3A_770 = arith.addf %add3A_763, %mul3A_769 : vector<64x128xf32>
    %get3A_771 = arith.constant 93 : index
    %get3A_772 = arith.constant 0 : index
    %get3A_773 = vector.load %arg2[%get3A_771, %get3A_772] : memref<256x128xf32, #tpu.memory_space<vmem>>, vector<1x128xf32>
    %broadcast_in_dim3A_774 = vector.shape_cast %get3A_773 : vector<1x128xf32> to vector<1x128xf32>
    %broadcast_in_dim3A_775 = vector.broadcast %broadcast_in_dim3A_774 : vector<1x128xf32> to vector<64x128xf32>
    %mul3A_776 = arith.mulf %broadcast_in_dim3A_775, %dot_general3A_76 : vector<64x128xf32>
    %add3A_777 = arith.addf %add3A_770, %mul3A_776 : vector<64x128xf32>
    %get3A_778 = arith.constant 94 : index
    %get3A_779 = arith.constant 0 : index
    %get3A_780 = vector.load %arg2[%get3A_778, %get3A_779] : memref<256x128xf32, #tpu.memory_space<vmem>>, vector<1x128xf32>
    %broadcast_in_dim3A_781 = vector.shape_cast %get3A_780 : vector<1x128xf32> to vector<1x128xf32>
    %broadcast_in_dim3A_782 = vector.broadcast %broadcast_in_dim3A_781 : vector<1x128xf32> to vector<64x128xf32>
    %mul3A_783 = arith.mulf %broadcast_in_dim3A_782, %dot_general3A_81 : vector<64x128xf32>
    %add3A_784 = arith.addf %add3A_777, %mul3A_783 : vector<64x128xf32>
    %get3A_785 = arith.constant 95 : index
    %get3A_786 = arith.constant 0 : index
    %get3A_787 = vector.load %arg2[%get3A_785, %get3A_786] : memref<256x128xf32, #tpu.memory_space<vmem>>, vector<1x128xf32>
    %broadcast_in_dim3A_788 = vector.shape_cast %get3A_787 : vector<1x128xf32> to vector<1x128xf32>
    %broadcast_in_dim3A_789 = vector.broadcast %broadcast_in_dim3A_788 : vector<1x128xf32> to vector<64x128xf32>
    %mul3A_790 = arith.mulf %broadcast_in_dim3A_789, %dot_general3A_86 : vector<64x128xf32>
    %add3A_791 = arith.addf %add3A_784, %mul3A_790 : vector<64x128xf32>
    %ge3A_792 = arith.constant 0.000000e+00 : f32
    %ge3A_793 = vector.broadcast %ge3A_792 : f32 to vector<64x128xf32>
    %ge3A_794 = arith.cmpf oge, %add3A_791, %ge3A_793 : vector<64x128xf32>
    %mul3A_795 = vector.broadcast %get3A_3 : f32 to vector<64x128xf32>
    %mul3A_796 = arith.mulf %mul3A_795, %add3A_791 : vector<64x128xf32>
    %select_n3A_797 = arith.select %ge3A_794, %add3A_791, %mul3A_796 : vector<64x128xi1>, vector<64x128xf32>
    %add3A_798 = arith.addf %add3A_679, %select_n3A_797 : vector<64x128xf32>
    %get3A_799 = arith.constant 96 : index
    %get3A_800 = arith.constant 0 : index
    %get3A_801 = vector.load %arg2[%get3A_799, %get3A_800] : memref<256x128xf32, #tpu.memory_space<vmem>>, vector<1x128xf32>
    %broadcast_in_dim3A_802 = vector.shape_cast %get3A_801 : vector<1x128xf32> to vector<1x128xf32>
    %broadcast_in_dim3A_803 = vector.broadcast %broadcast_in_dim3A_802 : vector<1x128xf32> to vector<64x128xf32>
    %mul3A_804 = arith.mulf %broadcast_in_dim3A_803, %dot_general3A_11 : vector<64x128xf32>
    %add3A_805 = arith.addf %broadcast_in_dim3A_7, %mul3A_804 : vector<64x128xf32>
    %get3A_806 = arith.constant 97 : index
    %get3A_807 = arith.constant 0 : index
    %get3A_808 = vector.load %arg2[%get3A_806, %get3A_807] : memref<256x128xf32, #tpu.memory_space<vmem>>, vector<1x128xf32>
    %broadcast_in_dim3A_809 = vector.shape_cast %get3A_808 : vector<1x128xf32> to vector<1x128xf32>
    %broadcast_in_dim3A_810 = vector.broadcast %broadcast_in_dim3A_809 : vector<1x128xf32> to vector<64x128xf32>
    %mul3A_811 = arith.mulf %broadcast_in_dim3A_810, %dot_general3A_16 : vector<64x128xf32>
    %add3A_812 = arith.addf %add3A_805, %mul3A_811 : vector<64x128xf32>
    %get3A_813 = arith.constant 98 : index
    %get3A_814 = arith.constant 0 : index
    %get3A_815 = vector.load %arg2[%get3A_813, %get3A_814] : memref<256x128xf32, #tpu.memory_space<vmem>>, vector<1x128xf32>
    %broadcast_in_dim3A_816 = vector.shape_cast %get3A_815 : vector<1x128xf32> to vector<1x128xf32>
    %broadcast_in_dim3A_817 = vector.broadcast %broadcast_in_dim3A_816 : vector<1x128xf32> to vector<64x128xf32>
    %mul3A_818 = arith.mulf %broadcast_in_dim3A_817, %dot_general3A_21 : vector<64x128xf32>
    %add3A_819 = arith.addf %add3A_812, %mul3A_818 : vector<64x128xf32>
    %get3A_820 = arith.constant 99 : index
    %get3A_821 = arith.constant 0 : index
    %get3A_822 = vector.load %arg2[%get3A_820, %get3A_821] : memref<256x128xf32, #tpu.memory_space<vmem>>, vector<1x128xf32>
    %broadcast_in_dim3A_823 = vector.shape_cast %get3A_822 : vector<1x128xf32> to vector<1x128xf32>
    %broadcast_in_dim3A_824 = vector.broadcast %broadcast_in_dim3A_823 : vector<1x128xf32> to vector<64x128xf32>
    %mul3A_825 = arith.mulf %broadcast_in_dim3A_824, %dot_general3A_26 : vector<64x128xf32>
    %add3A_826 = arith.addf %add3A_819, %mul3A_825 : vector<64x128xf32>
    %get3A_827 = arith.constant 100 : index
    %get3A_828 = arith.constant 0 : index
    %get3A_829 = vector.load %arg2[%get3A_827, %get3A_828] : memref<256x128xf32, #tpu.memory_space<vmem>>, vector<1x128xf32>
    %broadcast_in_dim3A_830 = vector.shape_cast %get3A_829 : vector<1x128xf32> to vector<1x128xf32>
    %broadcast_in_dim3A_831 = vector.broadcast %broadcast_in_dim3A_830 : vector<1x128xf32> to vector<64x128xf32>
    %mul3A_832 = arith.mulf %broadcast_in_dim3A_831, %dot_general3A_31 : vector<64x128xf32>
    %add3A_833 = arith.addf %add3A_826, %mul3A_832 : vector<64x128xf32>
    %get3A_834 = arith.constant 101 : index
    %get3A_835 = arith.constant 0 : index
    %get3A_836 = vector.load %arg2[%get3A_834, %get3A_835] : memref<256x128xf32, #tpu.memory_space<vmem>>, vector<1x128xf32>
    %broadcast_in_dim3A_837 = vector.shape_cast %get3A_836 : vector<1x128xf32> to vector<1x128xf32>
    %broadcast_in_dim3A_838 = vector.broadcast %broadcast_in_dim3A_837 : vector<1x128xf32> to vector<64x128xf32>
    %mul3A_839 = arith.mulf %broadcast_in_dim3A_838, %dot_general3A_36 : vector<64x128xf32>
    %add3A_840 = arith.addf %add3A_833, %mul3A_839 : vector<64x128xf32>
    %get3A_841 = arith.constant 102 : index
    %get3A_842 = arith.constant 0 : index
    %get3A_843 = vector.load %arg2[%get3A_841, %get3A_842] : memref<256x128xf32, #tpu.memory_space<vmem>>, vector<1x128xf32>
    %broadcast_in_dim3A_844 = vector.shape_cast %get3A_843 : vector<1x128xf32> to vector<1x128xf32>
    %broadcast_in_dim3A_845 = vector.broadcast %broadcast_in_dim3A_844 : vector<1x128xf32> to vector<64x128xf32>
    %mul3A_846 = arith.mulf %broadcast_in_dim3A_845, %dot_general3A_41 : vector<64x128xf32>
    %add3A_847 = arith.addf %add3A_840, %mul3A_846 : vector<64x128xf32>
    %get3A_848 = arith.constant 103 : index
    %get3A_849 = arith.constant 0 : index
    %get3A_850 = vector.load %arg2[%get3A_848, %get3A_849] : memref<256x128xf32, #tpu.memory_space<vmem>>, vector<1x128xf32>
    %broadcast_in_dim3A_851 = vector.shape_cast %get3A_850 : vector<1x128xf32> to vector<1x128xf32>
    %broadcast_in_dim3A_852 = vector.broadcast %broadcast_in_dim3A_851 : vector<1x128xf32> to vector<64x128xf32>
    %mul3A_853 = arith.mulf %broadcast_in_dim3A_852, %dot_general3A_46 : vector<64x128xf32>
    %add3A_854 = arith.addf %add3A_847, %mul3A_853 : vector<64x128xf32>
    %get3A_855 = arith.constant 104 : index
    %get3A_856 = arith.constant 0 : index
    %get3A_857 = vector.load %arg2[%get3A_855, %get3A_856] : memref<256x128xf32, #tpu.memory_space<vmem>>, vector<1x128xf32>
    %broadcast_in_dim3A_858 = vector.shape_cast %get3A_857 : vector<1x128xf32> to vector<1x128xf32>
    %broadcast_in_dim3A_859 = vector.broadcast %broadcast_in_dim3A_858 : vector<1x128xf32> to vector<64x128xf32>
    %mul3A_860 = arith.mulf %broadcast_in_dim3A_859, %dot_general3A_51 : vector<64x128xf32>
    %add3A_861 = arith.addf %add3A_854, %mul3A_860 : vector<64x128xf32>
    %get3A_862 = arith.constant 105 : index
    %get3A_863 = arith.constant 0 : index
    %get3A_864 = vector.load %arg2[%get3A_862, %get3A_863] : memref<256x128xf32, #tpu.memory_space<vmem>>, vector<1x128xf32>
    %broadcast_in_dim3A_865 = vector.shape_cast %get3A_864 : vector<1x128xf32> to vector<1x128xf32>
    %broadcast_in_dim3A_866 = vector.broadcast %broadcast_in_dim3A_865 : vector<1x128xf32> to vector<64x128xf32>
    %mul3A_867 = arith.mulf %broadcast_in_dim3A_866, %dot_general3A_56 : vector<64x128xf32>
    %add3A_868 = arith.addf %add3A_861, %mul3A_867 : vector<64x128xf32>
    %get3A_869 = arith.constant 106 : index
    %get3A_870 = arith.constant 0 : index
    %get3A_871 = vector.load %arg2[%get3A_869, %get3A_870] : memref<256x128xf32, #tpu.memory_space<vmem>>, vector<1x128xf32>
    %broadcast_in_dim3A_872 = vector.shape_cast %get3A_871 : vector<1x128xf32> to vector<1x128xf32>
    %broadcast_in_dim3A_873 = vector.broadcast %broadcast_in_dim3A_872 : vector<1x128xf32> to vector<64x128xf32>
    %mul3A_874 = arith.mulf %broadcast_in_dim3A_873, %dot_general3A_61 : vector<64x128xf32>
    %add3A_875 = arith.addf %add3A_868, %mul3A_874 : vector<64x128xf32>
    %get3A_876 = arith.constant 107 : index
    %get3A_877 = arith.constant 0 : index
    %get3A_878 = vector.load %arg2[%get3A_876, %get3A_877] : memref<256x128xf32, #tpu.memory_space<vmem>>, vector<1x128xf32>
    %broadcast_in_dim3A_879 = vector.shape_cast %get3A_878 : vector<1x128xf32> to vector<1x128xf32>
    %broadcast_in_dim3A_880 = vector.broadcast %broadcast_in_dim3A_879 : vector<1x128xf32> to vector<64x128xf32>
    %mul3A_881 = arith.mulf %broadcast_in_dim3A_880, %dot_general3A_66 : vector<64x128xf32>
    %add3A_882 = arith.addf %add3A_875, %mul3A_881 : vector<64x128xf32>
    %get3A_883 = arith.constant 108 : index
    %get3A_884 = arith.constant 0 : index
    %get3A_885 = vector.load %arg2[%get3A_883, %get3A_884] : memref<256x128xf32, #tpu.memory_space<vmem>>, vector<1x128xf32>
    %broadcast_in_dim3A_886 = vector.shape_cast %get3A_885 : vector<1x128xf32> to vector<1x128xf32>
    %broadcast_in_dim3A_887 = vector.broadcast %broadcast_in_dim3A_886 : vector<1x128xf32> to vector<64x128xf32>
    %mul3A_888 = arith.mulf %broadcast_in_dim3A_887, %dot_general3A_71 : vector<64x128xf32>
    %add3A_889 = arith.addf %add3A_882, %mul3A_888 : vector<64x128xf32>
    %get3A_890 = arith.constant 109 : index
    %get3A_891 = arith.constant 0 : index
    %get3A_892 = vector.load %arg2[%get3A_890, %get3A_891] : memref<256x128xf32, #tpu.memory_space<vmem>>, vector<1x128xf32>
    %broadcast_in_dim3A_893 = vector.shape_cast %get3A_892 : vector<1x128xf32> to vector<1x128xf32>
    %broadcast_in_dim3A_894 = vector.broadcast %broadcast_in_dim3A_893 : vector<1x128xf32> to vector<64x128xf32>
    %mul3A_895 = arith.mulf %broadcast_in_dim3A_894, %dot_general3A_76 : vector<64x128xf32>
    %add3A_896 = arith.addf %add3A_889, %mul3A_895 : vector<64x128xf32>
    %get3A_897 = arith.constant 110 : index
    %get3A_898 = arith.constant 0 : index
    %get3A_899 = vector.load %arg2[%get3A_897, %get3A_898] : memref<256x128xf32, #tpu.memory_space<vmem>>, vector<1x128xf32>
    %broadcast_in_dim3A_900 = vector.shape_cast %get3A_899 : vector<1x128xf32> to vector<1x128xf32>
    %broadcast_in_dim3A_901 = vector.broadcast %broadcast_in_dim3A_900 : vector<1x128xf32> to vector<64x128xf32>
    %mul3A_902 = arith.mulf %broadcast_in_dim3A_901, %dot_general3A_81 : vector<64x128xf32>
    %add3A_903 = arith.addf %add3A_896, %mul3A_902 : vector<64x128xf32>
    %get3A_904 = arith.constant 111 : index
    %get3A_905 = arith.constant 0 : index
    %get3A_906 = vector.load %arg2[%get3A_904, %get3A_905] : memref<256x128xf32, #tpu.memory_space<vmem>>, vector<1x128xf32>
    %broadcast_in_dim3A_907 = vector.shape_cast %get3A_906 : vector<1x128xf32> to vector<1x128xf32>
    %broadcast_in_dim3A_908 = vector.broadcast %broadcast_in_dim3A_907 : vector<1x128xf32> to vector<64x128xf32>
    %mul3A_909 = arith.mulf %broadcast_in_dim3A_908, %dot_general3A_86 : vector<64x128xf32>
    %add3A_910 = arith.addf %add3A_903, %mul3A_909 : vector<64x128xf32>
    %ge3A_911 = arith.constant 0.000000e+00 : f32
    %ge3A_912 = vector.broadcast %ge3A_911 : f32 to vector<64x128xf32>
    %ge3A_913 = arith.cmpf oge, %add3A_910, %ge3A_912 : vector<64x128xf32>
    %mul3A_914 = vector.broadcast %get3A_3 : f32 to vector<64x128xf32>
    %mul3A_915 = arith.mulf %mul3A_914, %add3A_910 : vector<64x128xf32>
    %select_n3A_916 = arith.select %ge3A_913, %add3A_910, %mul3A_915 : vector<64x128xi1>, vector<64x128xf32>
    %add3A_917 = arith.addf %add3A_798, %select_n3A_916 : vector<64x128xf32>
    %get3A_918 = arith.constant 112 : index
    %get3A_919 = arith.constant 0 : index
    %get3A_920 = vector.load %arg2[%get3A_918, %get3A_919] : memref<256x128xf32, #tpu.memory_space<vmem>>, vector<1x128xf32>
    %broadcast_in_dim3A_921 = vector.shape_cast %get3A_920 : vector<1x128xf32> to vector<1x128xf32>
    %broadcast_in_dim3A_922 = vector.broadcast %broadcast_in_dim3A_921 : vector<1x128xf32> to vector<64x128xf32>
    %mul3A_923 = arith.mulf %broadcast_in_dim3A_922, %dot_general3A_11 : vector<64x128xf32>
    %add3A_924 = arith.addf %broadcast_in_dim3A_7, %mul3A_923 : vector<64x128xf32>
    %get3A_925 = arith.constant 113 : index
    %get3A_926 = arith.constant 0 : index
    %get3A_927 = vector.load %arg2[%get3A_925, %get3A_926] : memref<256x128xf32, #tpu.memory_space<vmem>>, vector<1x128xf32>
    %broadcast_in_dim3A_928 = vector.shape_cast %get3A_927 : vector<1x128xf32> to vector<1x128xf32>
    %broadcast_in_dim3A_929 = vector.broadcast %broadcast_in_dim3A_928 : vector<1x128xf32> to vector<64x128xf32>
    %mul3A_930 = arith.mulf %broadcast_in_dim3A_929, %dot_general3A_16 : vector<64x128xf32>
    %add3A_931 = arith.addf %add3A_924, %mul3A_930 : vector<64x128xf32>
    %get3A_932 = arith.constant 114 : index
    %get3A_933 = arith.constant 0 : index
    %get3A_934 = vector.load %arg2[%get3A_932, %get3A_933] : memref<256x128xf32, #tpu.memory_space<vmem>>, vector<1x128xf32>
    %broadcast_in_dim3A_935 = vector.shape_cast %get3A_934 : vector<1x128xf32> to vector<1x128xf32>
    %broadcast_in_dim3A_936 = vector.broadcast %broadcast_in_dim3A_935 : vector<1x128xf32> to vector<64x128xf32>
    %mul3A_937 = arith.mulf %broadcast_in_dim3A_936, %dot_general3A_21 : vector<64x128xf32>
    %add3A_938 = arith.addf %add3A_931, %mul3A_937 : vector<64x128xf32>
    %get3A_939 = arith.constant 115 : index
    %get3A_940 = arith.constant 0 : index
    %get3A_941 = vector.load %arg2[%get3A_939, %get3A_940] : memref<256x128xf32, #tpu.memory_space<vmem>>, vector<1x128xf32>
    %broadcast_in_dim3A_942 = vector.shape_cast %get3A_941 : vector<1x128xf32> to vector<1x128xf32>
    %broadcast_in_dim3A_943 = vector.broadcast %broadcast_in_dim3A_942 : vector<1x128xf32> to vector<64x128xf32>
    %mul3A_944 = arith.mulf %broadcast_in_dim3A_943, %dot_general3A_26 : vector<64x128xf32>
    %add3A_945 = arith.addf %add3A_938, %mul3A_944 : vector<64x128xf32>
    %get3A_946 = arith.constant 116 : index
    %get3A_947 = arith.constant 0 : index
    %get3A_948 = vector.load %arg2[%get3A_946, %get3A_947] : memref<256x128xf32, #tpu.memory_space<vmem>>, vector<1x128xf32>
    %broadcast_in_dim3A_949 = vector.shape_cast %get3A_948 : vector<1x128xf32> to vector<1x128xf32>
    %broadcast_in_dim3A_950 = vector.broadcast %broadcast_in_dim3A_949 : vector<1x128xf32> to vector<64x128xf32>
    %mul3A_951 = arith.mulf %broadcast_in_dim3A_950, %dot_general3A_31 : vector<64x128xf32>
    %add3A_952 = arith.addf %add3A_945, %mul3A_951 : vector<64x128xf32>
    %get3A_953 = arith.constant 117 : index
    %get3A_954 = arith.constant 0 : index
    %get3A_955 = vector.load %arg2[%get3A_953, %get3A_954] : memref<256x128xf32, #tpu.memory_space<vmem>>, vector<1x128xf32>
    %broadcast_in_dim3A_956 = vector.shape_cast %get3A_955 : vector<1x128xf32> to vector<1x128xf32>
    %broadcast_in_dim3A_957 = vector.broadcast %broadcast_in_dim3A_956 : vector<1x128xf32> to vector<64x128xf32>
    %mul3A_958 = arith.mulf %broadcast_in_dim3A_957, %dot_general3A_36 : vector<64x128xf32>
    %add3A_959 = arith.addf %add3A_952, %mul3A_958 : vector<64x128xf32>
    %get3A_960 = arith.constant 118 : index
    %get3A_961 = arith.constant 0 : index
    %get3A_962 = vector.load %arg2[%get3A_960, %get3A_961] : memref<256x128xf32, #tpu.memory_space<vmem>>, vector<1x128xf32>
    %broadcast_in_dim3A_963 = vector.shape_cast %get3A_962 : vector<1x128xf32> to vector<1x128xf32>
    %broadcast_in_dim3A_964 = vector.broadcast %broadcast_in_dim3A_963 : vector<1x128xf32> to vector<64x128xf32>
    %mul3A_965 = arith.mulf %broadcast_in_dim3A_964, %dot_general3A_41 : vector<64x128xf32>
    %add3A_966 = arith.addf %add3A_959, %mul3A_965 : vector<64x128xf32>
    %get3A_967 = arith.constant 119 : index
    %get3A_968 = arith.constant 0 : index
    %get3A_969 = vector.load %arg2[%get3A_967, %get3A_968] : memref<256x128xf32, #tpu.memory_space<vmem>>, vector<1x128xf32>
    %broadcast_in_dim3A_970 = vector.shape_cast %get3A_969 : vector<1x128xf32> to vector<1x128xf32>
    %broadcast_in_dim3A_971 = vector.broadcast %broadcast_in_dim3A_970 : vector<1x128xf32> to vector<64x128xf32>
    %mul3A_972 = arith.mulf %broadcast_in_dim3A_971, %dot_general3A_46 : vector<64x128xf32>
    %add3A_973 = arith.addf %add3A_966, %mul3A_972 : vector<64x128xf32>
    %get3A_974 = arith.constant 120 : index
    %get3A_975 = arith.constant 0 : index
    %get3A_976 = vector.load %arg2[%get3A_974, %get3A_975] : memref<256x128xf32, #tpu.memory_space<vmem>>, vector<1x128xf32>
    %broadcast_in_dim3A_977 = vector.shape_cast %get3A_976 : vector<1x128xf32> to vector<1x128xf32>
    %broadcast_in_dim3A_978 = vector.broadcast %broadcast_in_dim3A_977 : vector<1x128xf32> to vector<64x128xf32>
    %mul3A_979 = arith.mulf %broadcast_in_dim3A_978, %dot_general3A_51 : vector<64x128xf32>
    %add3A_980 = arith.addf %add3A_973, %mul3A_979 : vector<64x128xf32>
    %get3A_981 = arith.constant 121 : index
    %get3A_982 = arith.constant 0 : index
    %get3A_983 = vector.load %arg2[%get3A_981, %get3A_982] : memref<256x128xf32, #tpu.memory_space<vmem>>, vector<1x128xf32>
    %broadcast_in_dim3A_984 = vector.shape_cast %get3A_983 : vector<1x128xf32> to vector<1x128xf32>
    %broadcast_in_dim3A_985 = vector.broadcast %broadcast_in_dim3A_984 : vector<1x128xf32> to vector<64x128xf32>
    %mul3A_986 = arith.mulf %broadcast_in_dim3A_985, %dot_general3A_56 : vector<64x128xf32>
    %add3A_987 = arith.addf %add3A_980, %mul3A_986 : vector<64x128xf32>
    %get3A_988 = arith.constant 122 : index
    %get3A_989 = arith.constant 0 : index
    %get3A_990 = vector.load %arg2[%get3A_988, %get3A_989] : memref<256x128xf32, #tpu.memory_space<vmem>>, vector<1x128xf32>
    %broadcast_in_dim3A_991 = vector.shape_cast %get3A_990 : vector<1x128xf32> to vector<1x128xf32>
    %broadcast_in_dim3A_992 = vector.broadcast %broadcast_in_dim3A_991 : vector<1x128xf32> to vector<64x128xf32>
    %mul3A_993 = arith.mulf %broadcast_in_dim3A_992, %dot_general3A_61 : vector<64x128xf32>
    %add3A_994 = arith.addf %add3A_987, %mul3A_993 : vector<64x128xf32>
    %get3A_995 = arith.constant 123 : index
    %get3A_996 = arith.constant 0 : index
    %get3A_997 = vector.load %arg2[%get3A_995, %get3A_996] : memref<256x128xf32, #tpu.memory_space<vmem>>, vector<1x128xf32>
    %broadcast_in_dim3A_998 = vector.shape_cast %get3A_997 : vector<1x128xf32> to vector<1x128xf32>
    %broadcast_in_dim3A_999 = vector.broadcast %broadcast_in_dim3A_998 : vector<1x128xf32> to vector<64x128xf32>
    %mul3A_1000 = arith.mulf %broadcast_in_dim3A_999, %dot_general3A_66 : vector<64x128xf32>
    %add3A_1001 = arith.addf %add3A_994, %mul3A_1000 : vector<64x128xf32>
    %get3A_1002 = arith.constant 124 : index
    %get3A_1003 = arith.constant 0 : index
    %get3A_1004 = vector.load %arg2[%get3A_1002, %get3A_1003] : memref<256x128xf32, #tpu.memory_space<vmem>>, vector<1x128xf32>
    %broadcast_in_dim3A_1005 = vector.shape_cast %get3A_1004 : vector<1x128xf32> to vector<1x128xf32>
    %broadcast_in_dim3A_1006 = vector.broadcast %broadcast_in_dim3A_1005 : vector<1x128xf32> to vector<64x128xf32>
    %mul3A_1007 = arith.mulf %broadcast_in_dim3A_1006, %dot_general3A_71 : vector<64x128xf32>
    %add3A_1008 = arith.addf %add3A_1001, %mul3A_1007 : vector<64x128xf32>
    %get3A_1009 = arith.constant 125 : index
    %get3A_1010 = arith.constant 0 : index
    %get3A_1011 = vector.load %arg2[%get3A_1009, %get3A_1010] : memref<256x128xf32, #tpu.memory_space<vmem>>, vector<1x128xf32>
    %broadcast_in_dim3A_1012 = vector.shape_cast %get3A_1011 : vector<1x128xf32> to vector<1x128xf32>
    %broadcast_in_dim3A_1013 = vector.broadcast %broadcast_in_dim3A_1012 : vector<1x128xf32> to vector<64x128xf32>
    %mul3A_1014 = arith.mulf %broadcast_in_dim3A_1013, %dot_general3A_76 : vector<64x128xf32>
    %add3A_1015 = arith.addf %add3A_1008, %mul3A_1014 : vector<64x128xf32>
    %get3A_1016 = arith.constant 126 : index
    %get3A_1017 = arith.constant 0 : index
    %get3A_1018 = vector.load %arg2[%get3A_1016, %get3A_1017] : memref<256x128xf32, #tpu.memory_space<vmem>>, vector<1x128xf32>
    %broadcast_in_dim3A_1019 = vector.shape_cast %get3A_1018 : vector<1x128xf32> to vector<1x128xf32>
    %broadcast_in_dim3A_1020 = vector.broadcast %broadcast_in_dim3A_1019 : vector<1x128xf32> to vector<64x128xf32>
    %mul3A_1021 = arith.mulf %broadcast_in_dim3A_1020, %dot_general3A_81 : vector<64x128xf32>
    %add3A_1022 = arith.addf %add3A_1015, %mul3A_1021 : vector<64x128xf32>
    %get3A_1023 = arith.constant 127 : index
    %get3A_1024 = arith.constant 0 : index
    %get3A_1025 = vector.load %arg2[%get3A_1023, %get3A_1024] : memref<256x128xf32, #tpu.memory_space<vmem>>, vector<1x128xf32>
    %broadcast_in_dim3A_1026 = vector.shape_cast %get3A_1025 : vector<1x128xf32> to vector<1x128xf32>
    %broadcast_in_dim3A_1027 = vector.broadcast %broadcast_in_dim3A_1026 : vector<1x128xf32> to vector<64x128xf32>
    %mul3A_1028 = arith.mulf %broadcast_in_dim3A_1027, %dot_general3A_86 : vector<64x128xf32>
    %add3A_1029 = arith.addf %add3A_1022, %mul3A_1028 : vector<64x128xf32>
    %ge3A_1030 = arith.constant 0.000000e+00 : f32
    %ge3A_1031 = vector.broadcast %ge3A_1030 : f32 to vector<64x128xf32>
    %ge3A_1032 = arith.cmpf oge, %add3A_1029, %ge3A_1031 : vector<64x128xf32>
    %mul3A_1033 = vector.broadcast %get3A_3 : f32 to vector<64x128xf32>
    %mul3A_1034 = arith.mulf %mul3A_1033, %add3A_1029 : vector<64x128xf32>
    %select_n3A_1035 = arith.select %ge3A_1032, %add3A_1029, %mul3A_1034 : vector<64x128xi1>, vector<64x128xf32>
    %add3A_1036 = arith.addf %add3A_917, %select_n3A_1035 : vector<64x128xf32>
    %get3A_1037 = arith.constant 128 : index
    %get3A_1038 = arith.constant 0 : index
    %get3A_1039 = vector.load %arg2[%get3A_1037, %get3A_1038] : memref<256x128xf32, #tpu.memory_space<vmem>>, vector<1x128xf32>
    %broadcast_in_dim3A_1040 = vector.shape_cast %get3A_1039 : vector<1x128xf32> to vector<1x128xf32>
    %broadcast_in_dim3A_1041 = vector.broadcast %broadcast_in_dim3A_1040 : vector<1x128xf32> to vector<64x128xf32>
    %mul3A_1042 = arith.mulf %broadcast_in_dim3A_1041, %dot_general3A_11 : vector<64x128xf32>
    %add3A_1043 = arith.addf %broadcast_in_dim3A_7, %mul3A_1042 : vector<64x128xf32>
    %get3A_1044 = arith.constant 129 : index
    %get3A_1045 = arith.constant 0 : index
    %get3A_1046 = vector.load %arg2[%get3A_1044, %get3A_1045] : memref<256x128xf32, #tpu.memory_space<vmem>>, vector<1x128xf32>
    %broadcast_in_dim3A_1047 = vector.shape_cast %get3A_1046 : vector<1x128xf32> to vector<1x128xf32>
    %broadcast_in_dim3A_1048 = vector.broadcast %broadcast_in_dim3A_1047 : vector<1x128xf32> to vector<64x128xf32>
    %mul3A_1049 = arith.mulf %broadcast_in_dim3A_1048, %dot_general3A_16 : vector<64x128xf32>
    %add3A_1050 = arith.addf %add3A_1043, %mul3A_1049 : vector<64x128xf32>
    %get3A_1051 = arith.constant 130 : index
    %get3A_1052 = arith.constant 0 : index
    %get3A_1053 = vector.load %arg2[%get3A_1051, %get3A_1052] : memref<256x128xf32, #tpu.memory_space<vmem>>, vector<1x128xf32>
    %broadcast_in_dim3A_1054 = vector.shape_cast %get3A_1053 : vector<1x128xf32> to vector<1x128xf32>
    %broadcast_in_dim3A_1055 = vector.broadcast %broadcast_in_dim3A_1054 : vector<1x128xf32> to vector<64x128xf32>
    %mul3A_1056 = arith.mulf %broadcast_in_dim3A_1055, %dot_general3A_21 : vector<64x128xf32>
    %add3A_1057 = arith.addf %add3A_1050, %mul3A_1056 : vector<64x128xf32>
    %get3A_1058 = arith.constant 131 : index
    %get3A_1059 = arith.constant 0 : index
    %get3A_1060 = vector.load %arg2[%get3A_1058, %get3A_1059] : memref<256x128xf32, #tpu.memory_space<vmem>>, vector<1x128xf32>
    %broadcast_in_dim3A_1061 = vector.shape_cast %get3A_1060 : vector<1x128xf32> to vector<1x128xf32>
    %broadcast_in_dim3A_1062 = vector.broadcast %broadcast_in_dim3A_1061 : vector<1x128xf32> to vector<64x128xf32>
    %mul3A_1063 = arith.mulf %broadcast_in_dim3A_1062, %dot_general3A_26 : vector<64x128xf32>
    %add3A_1064 = arith.addf %add3A_1057, %mul3A_1063 : vector<64x128xf32>
    %get3A_1065 = arith.constant 132 : index
    %get3A_1066 = arith.constant 0 : index
    %get3A_1067 = vector.load %arg2[%get3A_1065, %get3A_1066] : memref<256x128xf32, #tpu.memory_space<vmem>>, vector<1x128xf32>
    %broadcast_in_dim3A_1068 = vector.shape_cast %get3A_1067 : vector<1x128xf32> to vector<1x128xf32>
    %broadcast_in_dim3A_1069 = vector.broadcast %broadcast_in_dim3A_1068 : vector<1x128xf32> to vector<64x128xf32>
    %mul3A_1070 = arith.mulf %broadcast_in_dim3A_1069, %dot_general3A_31 : vector<64x128xf32>
    %add3A_1071 = arith.addf %add3A_1064, %mul3A_1070 : vector<64x128xf32>
    %get3A_1072 = arith.constant 133 : index
    %get3A_1073 = arith.constant 0 : index
    %get3A_1074 = vector.load %arg2[%get3A_1072, %get3A_1073] : memref<256x128xf32, #tpu.memory_space<vmem>>, vector<1x128xf32>
    %broadcast_in_dim3A_1075 = vector.shape_cast %get3A_1074 : vector<1x128xf32> to vector<1x128xf32>
    %broadcast_in_dim3A_1076 = vector.broadcast %broadcast_in_dim3A_1075 : vector<1x128xf32> to vector<64x128xf32>
    %mul3A_1077 = arith.mulf %broadcast_in_dim3A_1076, %dot_general3A_36 : vector<64x128xf32>
    %add3A_1078 = arith.addf %add3A_1071, %mul3A_1077 : vector<64x128xf32>
    %get3A_1079 = arith.constant 134 : index
    %get3A_1080 = arith.constant 0 : index
    %get3A_1081 = vector.load %arg2[%get3A_1079, %get3A_1080] : memref<256x128xf32, #tpu.memory_space<vmem>>, vector<1x128xf32>
    %broadcast_in_dim3A_1082 = vector.shape_cast %get3A_1081 : vector<1x128xf32> to vector<1x128xf32>
    %broadcast_in_dim3A_1083 = vector.broadcast %broadcast_in_dim3A_1082 : vector<1x128xf32> to vector<64x128xf32>
    %mul3A_1084 = arith.mulf %broadcast_in_dim3A_1083, %dot_general3A_41 : vector<64x128xf32>
    %add3A_1085 = arith.addf %add3A_1078, %mul3A_1084 : vector<64x128xf32>
    %get3A_1086 = arith.constant 135 : index
    %get3A_1087 = arith.constant 0 : index
    %get3A_1088 = vector.load %arg2[%get3A_1086, %get3A_1087] : memref<256x128xf32, #tpu.memory_space<vmem>>, vector<1x128xf32>
    %broadcast_in_dim3A_1089 = vector.shape_cast %get3A_1088 : vector<1x128xf32> to vector<1x128xf32>
    %broadcast_in_dim3A_1090 = vector.broadcast %broadcast_in_dim3A_1089 : vector<1x128xf32> to vector<64x128xf32>
    %mul3A_1091 = arith.mulf %broadcast_in_dim3A_1090, %dot_general3A_46 : vector<64x128xf32>
    %add3A_1092 = arith.addf %add3A_1085, %mul3A_1091 : vector<64x128xf32>
    %get3A_1093 = arith.constant 136 : index
    %get3A_1094 = arith.constant 0 : index
    %get3A_1095 = vector.load %arg2[%get3A_1093, %get3A_1094] : memref<256x128xf32, #tpu.memory_space<vmem>>, vector<1x128xf32>
    %broadcast_in_dim3A_1096 = vector.shape_cast %get3A_1095 : vector<1x128xf32> to vector<1x128xf32>
    %broadcast_in_dim3A_1097 = vector.broadcast %broadcast_in_dim3A_1096 : vector<1x128xf32> to vector<64x128xf32>
    %mul3A_1098 = arith.mulf %broadcast_in_dim3A_1097, %dot_general3A_51 : vector<64x128xf32>
    %add3A_1099 = arith.addf %add3A_1092, %mul3A_1098 : vector<64x128xf32>
    %get3A_1100 = arith.constant 137 : index
    %get3A_1101 = arith.constant 0 : index
    %get3A_1102 = vector.load %arg2[%get3A_1100, %get3A_1101] : memref<256x128xf32, #tpu.memory_space<vmem>>, vector<1x128xf32>
    %broadcast_in_dim3A_1103 = vector.shape_cast %get3A_1102 : vector<1x128xf32> to vector<1x128xf32>
    %broadcast_in_dim3A_1104 = vector.broadcast %broadcast_in_dim3A_1103 : vector<1x128xf32> to vector<64x128xf32>
    %mul3A_1105 = arith.mulf %broadcast_in_dim3A_1104, %dot_general3A_56 : vector<64x128xf32>
    %add3A_1106 = arith.addf %add3A_1099, %mul3A_1105 : vector<64x128xf32>
    %get3A_1107 = arith.constant 138 : index
    %get3A_1108 = arith.constant 0 : index
    %get3A_1109 = vector.load %arg2[%get3A_1107, %get3A_1108] : memref<256x128xf32, #tpu.memory_space<vmem>>, vector<1x128xf32>
    %broadcast_in_dim3A_1110 = vector.shape_cast %get3A_1109 : vector<1x128xf32> to vector<1x128xf32>
    %broadcast_in_dim3A_1111 = vector.broadcast %broadcast_in_dim3A_1110 : vector<1x128xf32> to vector<64x128xf32>
    %mul3A_1112 = arith.mulf %broadcast_in_dim3A_1111, %dot_general3A_61 : vector<64x128xf32>
    %add3A_1113 = arith.addf %add3A_1106, %mul3A_1112 : vector<64x128xf32>
    %get3A_1114 = arith.constant 139 : index
    %get3A_1115 = arith.constant 0 : index
    %get3A_1116 = vector.load %arg2[%get3A_1114, %get3A_1115] : memref<256x128xf32, #tpu.memory_space<vmem>>, vector<1x128xf32>
    %broadcast_in_dim3A_1117 = vector.shape_cast %get3A_1116 : vector<1x128xf32> to vector<1x128xf32>
    %broadcast_in_dim3A_1118 = vector.broadcast %broadcast_in_dim3A_1117 : vector<1x128xf32> to vector<64x128xf32>
    %mul3A_1119 = arith.mulf %broadcast_in_dim3A_1118, %dot_general3A_66 : vector<64x128xf32>
    %add3A_1120 = arith.addf %add3A_1113, %mul3A_1119 : vector<64x128xf32>
    %get3A_1121 = arith.constant 140 : index
    %get3A_1122 = arith.constant 0 : index
    %get3A_1123 = vector.load %arg2[%get3A_1121, %get3A_1122] : memref<256x128xf32, #tpu.memory_space<vmem>>, vector<1x128xf32>
    %broadcast_in_dim3A_1124 = vector.shape_cast %get3A_1123 : vector<1x128xf32> to vector<1x128xf32>
    %broadcast_in_dim3A_1125 = vector.broadcast %broadcast_in_dim3A_1124 : vector<1x128xf32> to vector<64x128xf32>
    %mul3A_1126 = arith.mulf %broadcast_in_dim3A_1125, %dot_general3A_71 : vector<64x128xf32>
    %add3A_1127 = arith.addf %add3A_1120, %mul3A_1126 : vector<64x128xf32>
    %get3A_1128 = arith.constant 141 : index
    %get3A_1129 = arith.constant 0 : index
    %get3A_1130 = vector.load %arg2[%get3A_1128, %get3A_1129] : memref<256x128xf32, #tpu.memory_space<vmem>>, vector<1x128xf32>
    %broadcast_in_dim3A_1131 = vector.shape_cast %get3A_1130 : vector<1x128xf32> to vector<1x128xf32>
    %broadcast_in_dim3A_1132 = vector.broadcast %broadcast_in_dim3A_1131 : vector<1x128xf32> to vector<64x128xf32>
    %mul3A_1133 = arith.mulf %broadcast_in_dim3A_1132, %dot_general3A_76 : vector<64x128xf32>
    %add3A_1134 = arith.addf %add3A_1127, %mul3A_1133 : vector<64x128xf32>
    %get3A_1135 = arith.constant 142 : index
    %get3A_1136 = arith.constant 0 : index
    %get3A_1137 = vector.load %arg2[%get3A_1135, %get3A_1136] : memref<256x128xf32, #tpu.memory_space<vmem>>, vector<1x128xf32>
    %broadcast_in_dim3A_1138 = vector.shape_cast %get3A_1137 : vector<1x128xf32> to vector<1x128xf32>
    %broadcast_in_dim3A_1139 = vector.broadcast %broadcast_in_dim3A_1138 : vector<1x128xf32> to vector<64x128xf32>
    %mul3A_1140 = arith.mulf %broadcast_in_dim3A_1139, %dot_general3A_81 : vector<64x128xf32>
    %add3A_1141 = arith.addf %add3A_1134, %mul3A_1140 : vector<64x128xf32>
    %get3A_1142 = arith.constant 143 : index
    %get3A_1143 = arith.constant 0 : index
    %get3A_1144 = vector.load %arg2[%get3A_1142, %get3A_1143] : memref<256x128xf32, #tpu.memory_space<vmem>>, vector<1x128xf32>
    %broadcast_in_dim3A_1145 = vector.shape_cast %get3A_1144 : vector<1x128xf32> to vector<1x128xf32>
    %broadcast_in_dim3A_1146 = vector.broadcast %broadcast_in_dim3A_1145 : vector<1x128xf32> to vector<64x128xf32>
    %mul3A_1147 = arith.mulf %broadcast_in_dim3A_1146, %dot_general3A_86 : vector<64x128xf32>
    %add3A_1148 = arith.addf %add3A_1141, %mul3A_1147 : vector<64x128xf32>
    %ge3A_1149 = arith.constant 0.000000e+00 : f32
    %ge3A_1150 = vector.broadcast %ge3A_1149 : f32 to vector<64x128xf32>
    %ge3A_1151 = arith.cmpf oge, %add3A_1148, %ge3A_1150 : vector<64x128xf32>
    %mul3A_1152 = vector.broadcast %get3A_3 : f32 to vector<64x128xf32>
    %mul3A_1153 = arith.mulf %mul3A_1152, %add3A_1148 : vector<64x128xf32>
    %select_n3A_1154 = arith.select %ge3A_1151, %add3A_1148, %mul3A_1153 : vector<64x128xi1>, vector<64x128xf32>
    %add3A_1155 = arith.addf %add3A_1036, %select_n3A_1154 : vector<64x128xf32>
    %get3A_1156 = arith.constant 144 : index
    %get3A_1157 = arith.constant 0 : index
    %get3A_1158 = vector.load %arg2[%get3A_1156, %get3A_1157] : memref<256x128xf32, #tpu.memory_space<vmem>>, vector<1x128xf32>
    %broadcast_in_dim3A_1159 = vector.shape_cast %get3A_1158 : vector<1x128xf32> to vector<1x128xf32>
    %broadcast_in_dim3A_1160 = vector.broadcast %broadcast_in_dim3A_1159 : vector<1x128xf32> to vector<64x128xf32>
    %mul3A_1161 = arith.mulf %broadcast_in_dim3A_1160, %dot_general3A_11 : vector<64x128xf32>
    %add3A_1162 = arith.addf %broadcast_in_dim3A_7, %mul3A_1161 : vector<64x128xf32>
    %get3A_1163 = arith.constant 145 : index
    %get3A_1164 = arith.constant 0 : index
    %get3A_1165 = vector.load %arg2[%get3A_1163, %get3A_1164] : memref<256x128xf32, #tpu.memory_space<vmem>>, vector<1x128xf32>
    %broadcast_in_dim3A_1166 = vector.shape_cast %get3A_1165 : vector<1x128xf32> to vector<1x128xf32>
    %broadcast_in_dim3A_1167 = vector.broadcast %broadcast_in_dim3A_1166 : vector<1x128xf32> to vector<64x128xf32>
    %mul3A_1168 = arith.mulf %broadcast_in_dim3A_1167, %dot_general3A_16 : vector<64x128xf32>
    %add3A_1169 = arith.addf %add3A_1162, %mul3A_1168 : vector<64x128xf32>
    %get3A_1170 = arith.constant 146 : index
    %get3A_1171 = arith.constant 0 : index
    %get3A_1172 = vector.load %arg2[%get3A_1170, %get3A_1171] : memref<256x128xf32, #tpu.memory_space<vmem>>, vector<1x128xf32>
    %broadcast_in_dim3A_1173 = vector.shape_cast %get3A_1172 : vector<1x128xf32> to vector<1x128xf32>
    %broadcast_in_dim3A_1174 = vector.broadcast %broadcast_in_dim3A_1173 : vector<1x128xf32> to vector<64x128xf32>
    %mul3A_1175 = arith.mulf %broadcast_in_dim3A_1174, %dot_general3A_21 : vector<64x128xf32>
    %add3A_1176 = arith.addf %add3A_1169, %mul3A_1175 : vector<64x128xf32>
    %get3A_1177 = arith.constant 147 : index
    %get3A_1178 = arith.constant 0 : index
    %get3A_1179 = vector.load %arg2[%get3A_1177, %get3A_1178] : memref<256x128xf32, #tpu.memory_space<vmem>>, vector<1x128xf32>
    %broadcast_in_dim3A_1180 = vector.shape_cast %get3A_1179 : vector<1x128xf32> to vector<1x128xf32>
    %broadcast_in_dim3A_1181 = vector.broadcast %broadcast_in_dim3A_1180 : vector<1x128xf32> to vector<64x128xf32>
    %mul3A_1182 = arith.mulf %broadcast_in_dim3A_1181, %dot_general3A_26 : vector<64x128xf32>
    %add3A_1183 = arith.addf %add3A_1176, %mul3A_1182 : vector<64x128xf32>
    %get3A_1184 = arith.constant 148 : index
    %get3A_1185 = arith.constant 0 : index
    %get3A_1186 = vector.load %arg2[%get3A_1184, %get3A_1185] : memref<256x128xf32, #tpu.memory_space<vmem>>, vector<1x128xf32>
    %broadcast_in_dim3A_1187 = vector.shape_cast %get3A_1186 : vector<1x128xf32> to vector<1x128xf32>
    %broadcast_in_dim3A_1188 = vector.broadcast %broadcast_in_dim3A_1187 : vector<1x128xf32> to vector<64x128xf32>
    %mul3A_1189 = arith.mulf %broadcast_in_dim3A_1188, %dot_general3A_31 : vector<64x128xf32>
    %add3A_1190 = arith.addf %add3A_1183, %mul3A_1189 : vector<64x128xf32>
    %get3A_1191 = arith.constant 149 : index
    %get3A_1192 = arith.constant 0 : index
    %get3A_1193 = vector.load %arg2[%get3A_1191, %get3A_1192] : memref<256x128xf32, #tpu.memory_space<vmem>>, vector<1x128xf32>
    %broadcast_in_dim3A_1194 = vector.shape_cast %get3A_1193 : vector<1x128xf32> to vector<1x128xf32>
    %broadcast_in_dim3A_1195 = vector.broadcast %broadcast_in_dim3A_1194 : vector<1x128xf32> to vector<64x128xf32>
    %mul3A_1196 = arith.mulf %broadcast_in_dim3A_1195, %dot_general3A_36 : vector<64x128xf32>
    %add3A_1197 = arith.addf %add3A_1190, %mul3A_1196 : vector<64x128xf32>
    %get3A_1198 = arith.constant 150 : index
    %get3A_1199 = arith.constant 0 : index
    %get3A_1200 = vector.load %arg2[%get3A_1198, %get3A_1199] : memref<256x128xf32, #tpu.memory_space<vmem>>, vector<1x128xf32>
    %broadcast_in_dim3A_1201 = vector.shape_cast %get3A_1200 : vector<1x128xf32> to vector<1x128xf32>
    %broadcast_in_dim3A_1202 = vector.broadcast %broadcast_in_dim3A_1201 : vector<1x128xf32> to vector<64x128xf32>
    %mul3A_1203 = arith.mulf %broadcast_in_dim3A_1202, %dot_general3A_41 : vector<64x128xf32>
    %add3A_1204 = arith.addf %add3A_1197, %mul3A_1203 : vector<64x128xf32>
    %get3A_1205 = arith.constant 151 : index
    %get3A_1206 = arith.constant 0 : index
    %get3A_1207 = vector.load %arg2[%get3A_1205, %get3A_1206] : memref<256x128xf32, #tpu.memory_space<vmem>>, vector<1x128xf32>
    %broadcast_in_dim3A_1208 = vector.shape_cast %get3A_1207 : vector<1x128xf32> to vector<1x128xf32>
    %broadcast_in_dim3A_1209 = vector.broadcast %broadcast_in_dim3A_1208 : vector<1x128xf32> to vector<64x128xf32>
    %mul3A_1210 = arith.mulf %broadcast_in_dim3A_1209, %dot_general3A_46 : vector<64x128xf32>
    %add3A_1211 = arith.addf %add3A_1204, %mul3A_1210 : vector<64x128xf32>
    %get3A_1212 = arith.constant 152 : index
    %get3A_1213 = arith.constant 0 : index
    %get3A_1214 = vector.load %arg2[%get3A_1212, %get3A_1213] : memref<256x128xf32, #tpu.memory_space<vmem>>, vector<1x128xf32>
    %broadcast_in_dim3A_1215 = vector.shape_cast %get3A_1214 : vector<1x128xf32> to vector<1x128xf32>
    %broadcast_in_dim3A_1216 = vector.broadcast %broadcast_in_dim3A_1215 : vector<1x128xf32> to vector<64x128xf32>
    %mul3A_1217 = arith.mulf %broadcast_in_dim3A_1216, %dot_general3A_51 : vector<64x128xf32>
    %add3A_1218 = arith.addf %add3A_1211, %mul3A_1217 : vector<64x128xf32>
    %get3A_1219 = arith.constant 153 : index
    %get3A_1220 = arith.constant 0 : index
    %get3A_1221 = vector.load %arg2[%get3A_1219, %get3A_1220] : memref<256x128xf32, #tpu.memory_space<vmem>>, vector<1x128xf32>
    %broadcast_in_dim3A_1222 = vector.shape_cast %get3A_1221 : vector<1x128xf32> to vector<1x128xf32>
    %broadcast_in_dim3A_1223 = vector.broadcast %broadcast_in_dim3A_1222 : vector<1x128xf32> to vector<64x128xf32>
    %mul3A_1224 = arith.mulf %broadcast_in_dim3A_1223, %dot_general3A_56 : vector<64x128xf32>
    %add3A_1225 = arith.addf %add3A_1218, %mul3A_1224 : vector<64x128xf32>
    %get3A_1226 = arith.constant 154 : index
    %get3A_1227 = arith.constant 0 : index
    %get3A_1228 = vector.load %arg2[%get3A_1226, %get3A_1227] : memref<256x128xf32, #tpu.memory_space<vmem>>, vector<1x128xf32>
    %broadcast_in_dim3A_1229 = vector.shape_cast %get3A_1228 : vector<1x128xf32> to vector<1x128xf32>
    %broadcast_in_dim3A_1230 = vector.broadcast %broadcast_in_dim3A_1229 : vector<1x128xf32> to vector<64x128xf32>
    %mul3A_1231 = arith.mulf %broadcast_in_dim3A_1230, %dot_general3A_61 : vector<64x128xf32>
    %add3A_1232 = arith.addf %add3A_1225, %mul3A_1231 : vector<64x128xf32>
    %get3A_1233 = arith.constant 155 : index
    %get3A_1234 = arith.constant 0 : index
    %get3A_1235 = vector.load %arg2[%get3A_1233, %get3A_1234] : memref<256x128xf32, #tpu.memory_space<vmem>>, vector<1x128xf32>
    %broadcast_in_dim3A_1236 = vector.shape_cast %get3A_1235 : vector<1x128xf32> to vector<1x128xf32>
    %broadcast_in_dim3A_1237 = vector.broadcast %broadcast_in_dim3A_1236 : vector<1x128xf32> to vector<64x128xf32>
    %mul3A_1238 = arith.mulf %broadcast_in_dim3A_1237, %dot_general3A_66 : vector<64x128xf32>
    %add3A_1239 = arith.addf %add3A_1232, %mul3A_1238 : vector<64x128xf32>
    %get3A_1240 = arith.constant 156 : index
    %get3A_1241 = arith.constant 0 : index
    %get3A_1242 = vector.load %arg2[%get3A_1240, %get3A_1241] : memref<256x128xf32, #tpu.memory_space<vmem>>, vector<1x128xf32>
    %broadcast_in_dim3A_1243 = vector.shape_cast %get3A_1242 : vector<1x128xf32> to vector<1x128xf32>
    %broadcast_in_dim3A_1244 = vector.broadcast %broadcast_in_dim3A_1243 : vector<1x128xf32> to vector<64x128xf32>
    %mul3A_1245 = arith.mulf %broadcast_in_dim3A_1244, %dot_general3A_71 : vector<64x128xf32>
    %add3A_1246 = arith.addf %add3A_1239, %mul3A_1245 : vector<64x128xf32>
    %get3A_1247 = arith.constant 157 : index
    %get3A_1248 = arith.constant 0 : index
    %get3A_1249 = vector.load %arg2[%get3A_1247, %get3A_1248] : memref<256x128xf32, #tpu.memory_space<vmem>>, vector<1x128xf32>
    %broadcast_in_dim3A_1250 = vector.shape_cast %get3A_1249 : vector<1x128xf32> to vector<1x128xf32>
    %broadcast_in_dim3A_1251 = vector.broadcast %broadcast_in_dim3A_1250 : vector<1x128xf32> to vector<64x128xf32>
    %mul3A_1252 = arith.mulf %broadcast_in_dim3A_1251, %dot_general3A_76 : vector<64x128xf32>
    %add3A_1253 = arith.addf %add3A_1246, %mul3A_1252 : vector<64x128xf32>
    %get3A_1254 = arith.constant 158 : index
    %get3A_1255 = arith.constant 0 : index
    %get3A_1256 = vector.load %arg2[%get3A_1254, %get3A_1255] : memref<256x128xf32, #tpu.memory_space<vmem>>, vector<1x128xf32>
    %broadcast_in_dim3A_1257 = vector.shape_cast %get3A_1256 : vector<1x128xf32> to vector<1x128xf32>
    %broadcast_in_dim3A_1258 = vector.broadcast %broadcast_in_dim3A_1257 : vector<1x128xf32> to vector<64x128xf32>
    %mul3A_1259 = arith.mulf %broadcast_in_dim3A_1258, %dot_general3A_81 : vector<64x128xf32>
    %add3A_1260 = arith.addf %add3A_1253, %mul3A_1259 : vector<64x128xf32>
    %get3A_1261 = arith.constant 159 : index
    %get3A_1262 = arith.constant 0 : index
    %get3A_1263 = vector.load %arg2[%get3A_1261, %get3A_1262] : memref<256x128xf32, #tpu.memory_space<vmem>>, vector<1x128xf32>
    %broadcast_in_dim3A_1264 = vector.shape_cast %get3A_1263 : vector<1x128xf32> to vector<1x128xf32>
    %broadcast_in_dim3A_1265 = vector.broadcast %broadcast_in_dim3A_1264 : vector<1x128xf32> to vector<64x128xf32>
    %mul3A_1266 = arith.mulf %broadcast_in_dim3A_1265, %dot_general3A_86 : vector<64x128xf32>
    %add3A_1267 = arith.addf %add3A_1260, %mul3A_1266 : vector<64x128xf32>
    %ge3A_1268 = arith.constant 0.000000e+00 : f32
    %ge3A_1269 = vector.broadcast %ge3A_1268 : f32 to vector<64x128xf32>
    %ge3A_1270 = arith.cmpf oge, %add3A_1267, %ge3A_1269 : vector<64x128xf32>
    %mul3A_1271 = vector.broadcast %get3A_3 : f32 to vector<64x128xf32>
    %mul3A_1272 = arith.mulf %mul3A_1271, %add3A_1267 : vector<64x128xf32>
    %select_n3A_1273 = arith.select %ge3A_1270, %add3A_1267, %mul3A_1272 : vector<64x128xi1>, vector<64x128xf32>
    %add3A_1274 = arith.addf %add3A_1155, %select_n3A_1273 : vector<64x128xf32>
    %get3A_1275 = arith.constant 160 : index
    %get3A_1276 = arith.constant 0 : index
    %get3A_1277 = vector.load %arg2[%get3A_1275, %get3A_1276] : memref<256x128xf32, #tpu.memory_space<vmem>>, vector<1x128xf32>
    %broadcast_in_dim3A_1278 = vector.shape_cast %get3A_1277 : vector<1x128xf32> to vector<1x128xf32>
    %broadcast_in_dim3A_1279 = vector.broadcast %broadcast_in_dim3A_1278 : vector<1x128xf32> to vector<64x128xf32>
    %mul3A_1280 = arith.mulf %broadcast_in_dim3A_1279, %dot_general3A_11 : vector<64x128xf32>
    %add3A_1281 = arith.addf %broadcast_in_dim3A_7, %mul3A_1280 : vector<64x128xf32>
    %get3A_1282 = arith.constant 161 : index
    %get3A_1283 = arith.constant 0 : index
    %get3A_1284 = vector.load %arg2[%get3A_1282, %get3A_1283] : memref<256x128xf32, #tpu.memory_space<vmem>>, vector<1x128xf32>
    %broadcast_in_dim3A_1285 = vector.shape_cast %get3A_1284 : vector<1x128xf32> to vector<1x128xf32>
    %broadcast_in_dim3A_1286 = vector.broadcast %broadcast_in_dim3A_1285 : vector<1x128xf32> to vector<64x128xf32>
    %mul3A_1287 = arith.mulf %broadcast_in_dim3A_1286, %dot_general3A_16 : vector<64x128xf32>
    %add3A_1288 = arith.addf %add3A_1281, %mul3A_1287 : vector<64x128xf32>
    %get3A_1289 = arith.constant 162 : index
    %get3A_1290 = arith.constant 0 : index
    %get3A_1291 = vector.load %arg2[%get3A_1289, %get3A_1290] : memref<256x128xf32, #tpu.memory_space<vmem>>, vector<1x128xf32>
    %broadcast_in_dim3A_1292 = vector.shape_cast %get3A_1291 : vector<1x128xf32> to vector<1x128xf32>
    %broadcast_in_dim3A_1293 = vector.broadcast %broadcast_in_dim3A_1292 : vector<1x128xf32> to vector<64x128xf32>
    %mul3A_1294 = arith.mulf %broadcast_in_dim3A_1293, %dot_general3A_21 : vector<64x128xf32>
    %add3A_1295 = arith.addf %add3A_1288, %mul3A_1294 : vector<64x128xf32>
    %get3A_1296 = arith.constant 163 : index
    %get3A_1297 = arith.constant 0 : index
    %get3A_1298 = vector.load %arg2[%get3A_1296, %get3A_1297] : memref<256x128xf32, #tpu.memory_space<vmem>>, vector<1x128xf32>
    %broadcast_in_dim3A_1299 = vector.shape_cast %get3A_1298 : vector<1x128xf32> to vector<1x128xf32>
    %broadcast_in_dim3A_1300 = vector.broadcast %broadcast_in_dim3A_1299 : vector<1x128xf32> to vector<64x128xf32>
    %mul3A_1301 = arith.mulf %broadcast_in_dim3A_1300, %dot_general3A_26 : vector<64x128xf32>
    %add3A_1302 = arith.addf %add3A_1295, %mul3A_1301 : vector<64x128xf32>
    %get3A_1303 = arith.constant 164 : index
    %get3A_1304 = arith.constant 0 : index
    %get3A_1305 = vector.load %arg2[%get3A_1303, %get3A_1304] : memref<256x128xf32, #tpu.memory_space<vmem>>, vector<1x128xf32>
    %broadcast_in_dim3A_1306 = vector.shape_cast %get3A_1305 : vector<1x128xf32> to vector<1x128xf32>
    %broadcast_in_dim3A_1307 = vector.broadcast %broadcast_in_dim3A_1306 : vector<1x128xf32> to vector<64x128xf32>
    %mul3A_1308 = arith.mulf %broadcast_in_dim3A_1307, %dot_general3A_31 : vector<64x128xf32>
    %add3A_1309 = arith.addf %add3A_1302, %mul3A_1308 : vector<64x128xf32>
    %get3A_1310 = arith.constant 165 : index
    %get3A_1311 = arith.constant 0 : index
    %get3A_1312 = vector.load %arg2[%get3A_1310, %get3A_1311] : memref<256x128xf32, #tpu.memory_space<vmem>>, vector<1x128xf32>
    %broadcast_in_dim3A_1313 = vector.shape_cast %get3A_1312 : vector<1x128xf32> to vector<1x128xf32>
    %broadcast_in_dim3A_1314 = vector.broadcast %broadcast_in_dim3A_1313 : vector<1x128xf32> to vector<64x128xf32>
    %mul3A_1315 = arith.mulf %broadcast_in_dim3A_1314, %dot_general3A_36 : vector<64x128xf32>
    %add3A_1316 = arith.addf %add3A_1309, %mul3A_1315 : vector<64x128xf32>
    %get3A_1317 = arith.constant 166 : index
    %get3A_1318 = arith.constant 0 : index
    %get3A_1319 = vector.load %arg2[%get3A_1317, %get3A_1318] : memref<256x128xf32, #tpu.memory_space<vmem>>, vector<1x128xf32>
    %broadcast_in_dim3A_1320 = vector.shape_cast %get3A_1319 : vector<1x128xf32> to vector<1x128xf32>
    %broadcast_in_dim3A_1321 = vector.broadcast %broadcast_in_dim3A_1320 : vector<1x128xf32> to vector<64x128xf32>
    %mul3A_1322 = arith.mulf %broadcast_in_dim3A_1321, %dot_general3A_41 : vector<64x128xf32>
    %add3A_1323 = arith.addf %add3A_1316, %mul3A_1322 : vector<64x128xf32>
    %get3A_1324 = arith.constant 167 : index
    %get3A_1325 = arith.constant 0 : index
    %get3A_1326 = vector.load %arg2[%get3A_1324, %get3A_1325] : memref<256x128xf32, #tpu.memory_space<vmem>>, vector<1x128xf32>
    %broadcast_in_dim3A_1327 = vector.shape_cast %get3A_1326 : vector<1x128xf32> to vector<1x128xf32>
    %broadcast_in_dim3A_1328 = vector.broadcast %broadcast_in_dim3A_1327 : vector<1x128xf32> to vector<64x128xf32>
    %mul3A_1329 = arith.mulf %broadcast_in_dim3A_1328, %dot_general3A_46 : vector<64x128xf32>
    %add3A_1330 = arith.addf %add3A_1323, %mul3A_1329 : vector<64x128xf32>
    %get3A_1331 = arith.constant 168 : index
    %get3A_1332 = arith.constant 0 : index
    %get3A_1333 = vector.load %arg2[%get3A_1331, %get3A_1332] : memref<256x128xf32, #tpu.memory_space<vmem>>, vector<1x128xf32>
    %broadcast_in_dim3A_1334 = vector.shape_cast %get3A_1333 : vector<1x128xf32> to vector<1x128xf32>
    %broadcast_in_dim3A_1335 = vector.broadcast %broadcast_in_dim3A_1334 : vector<1x128xf32> to vector<64x128xf32>
    %mul3A_1336 = arith.mulf %broadcast_in_dim3A_1335, %dot_general3A_51 : vector<64x128xf32>
    %add3A_1337 = arith.addf %add3A_1330, %mul3A_1336 : vector<64x128xf32>
    %get3A_1338 = arith.constant 169 : index
    %get3A_1339 = arith.constant 0 : index
    %get3A_1340 = vector.load %arg2[%get3A_1338, %get3A_1339] : memref<256x128xf32, #tpu.memory_space<vmem>>, vector<1x128xf32>
    %broadcast_in_dim3A_1341 = vector.shape_cast %get3A_1340 : vector<1x128xf32> to vector<1x128xf32>
    %broadcast_in_dim3A_1342 = vector.broadcast %broadcast_in_dim3A_1341 : vector<1x128xf32> to vector<64x128xf32>
    %mul3A_1343 = arith.mulf %broadcast_in_dim3A_1342, %dot_general3A_56 : vector<64x128xf32>
    %add3A_1344 = arith.addf %add3A_1337, %mul3A_1343 : vector<64x128xf32>
    %get3A_1345 = arith.constant 170 : index
    %get3A_1346 = arith.constant 0 : index
    %get3A_1347 = vector.load %arg2[%get3A_1345, %get3A_1346] : memref<256x128xf32, #tpu.memory_space<vmem>>, vector<1x128xf32>
    %broadcast_in_dim3A_1348 = vector.shape_cast %get3A_1347 : vector<1x128xf32> to vector<1x128xf32>
    %broadcast_in_dim3A_1349 = vector.broadcast %broadcast_in_dim3A_1348 : vector<1x128xf32> to vector<64x128xf32>
    %mul3A_1350 = arith.mulf %broadcast_in_dim3A_1349, %dot_general3A_61 : vector<64x128xf32>
    %add3A_1351 = arith.addf %add3A_1344, %mul3A_1350 : vector<64x128xf32>
    %get3A_1352 = arith.constant 171 : index
    %get3A_1353 = arith.constant 0 : index
    %get3A_1354 = vector.load %arg2[%get3A_1352, %get3A_1353] : memref<256x128xf32, #tpu.memory_space<vmem>>, vector<1x128xf32>
    %broadcast_in_dim3A_1355 = vector.shape_cast %get3A_1354 : vector<1x128xf32> to vector<1x128xf32>
    %broadcast_in_dim3A_1356 = vector.broadcast %broadcast_in_dim3A_1355 : vector<1x128xf32> to vector<64x128xf32>
    %mul3A_1357 = arith.mulf %broadcast_in_dim3A_1356, %dot_general3A_66 : vector<64x128xf32>
    %add3A_1358 = arith.addf %add3A_1351, %mul3A_1357 : vector<64x128xf32>
    %get3A_1359 = arith.constant 172 : index
    %get3A_1360 = arith.constant 0 : index
    %get3A_1361 = vector.load %arg2[%get3A_1359, %get3A_1360] : memref<256x128xf32, #tpu.memory_space<vmem>>, vector<1x128xf32>
    %broadcast_in_dim3A_1362 = vector.shape_cast %get3A_1361 : vector<1x128xf32> to vector<1x128xf32>
    %broadcast_in_dim3A_1363 = vector.broadcast %broadcast_in_dim3A_1362 : vector<1x128xf32> to vector<64x128xf32>
    %mul3A_1364 = arith.mulf %broadcast_in_dim3A_1363, %dot_general3A_71 : vector<64x128xf32>
    %add3A_1365 = arith.addf %add3A_1358, %mul3A_1364 : vector<64x128xf32>
    %get3A_1366 = arith.constant 173 : index
    %get3A_1367 = arith.constant 0 : index
    %get3A_1368 = vector.load %arg2[%get3A_1366, %get3A_1367] : memref<256x128xf32, #tpu.memory_space<vmem>>, vector<1x128xf32>
    %broadcast_in_dim3A_1369 = vector.shape_cast %get3A_1368 : vector<1x128xf32> to vector<1x128xf32>
    %broadcast_in_dim3A_1370 = vector.broadcast %broadcast_in_dim3A_1369 : vector<1x128xf32> to vector<64x128xf32>
    %mul3A_1371 = arith.mulf %broadcast_in_dim3A_1370, %dot_general3A_76 : vector<64x128xf32>
    %add3A_1372 = arith.addf %add3A_1365, %mul3A_1371 : vector<64x128xf32>
    %get3A_1373 = arith.constant 174 : index
    %get3A_1374 = arith.constant 0 : index
    %get3A_1375 = vector.load %arg2[%get3A_1373, %get3A_1374] : memref<256x128xf32, #tpu.memory_space<vmem>>, vector<1x128xf32>
    %broadcast_in_dim3A_1376 = vector.shape_cast %get3A_1375 : vector<1x128xf32> to vector<1x128xf32>
    %broadcast_in_dim3A_1377 = vector.broadcast %broadcast_in_dim3A_1376 : vector<1x128xf32> to vector<64x128xf32>
    %mul3A_1378 = arith.mulf %broadcast_in_dim3A_1377, %dot_general3A_81 : vector<64x128xf32>
    %add3A_1379 = arith.addf %add3A_1372, %mul3A_1378 : vector<64x128xf32>
    %get3A_1380 = arith.constant 175 : index
    %get3A_1381 = arith.constant 0 : index
    %get3A_1382 = vector.load %arg2[%get3A_1380, %get3A_1381] : memref<256x128xf32, #tpu.memory_space<vmem>>, vector<1x128xf32>
    %broadcast_in_dim3A_1383 = vector.shape_cast %get3A_1382 : vector<1x128xf32> to vector<1x128xf32>
    %broadcast_in_dim3A_1384 = vector.broadcast %broadcast_in_dim3A_1383 : vector<1x128xf32> to vector<64x128xf32>
    %mul3A_1385 = arith.mulf %broadcast_in_dim3A_1384, %dot_general3A_86 : vector<64x128xf32>
    %add3A_1386 = arith.addf %add3A_1379, %mul3A_1385 : vector<64x128xf32>
    %ge3A_1387 = arith.constant 0.000000e+00 : f32
    %ge3A_1388 = vector.broadcast %ge3A_1387 : f32 to vector<64x128xf32>
    %ge3A_1389 = arith.cmpf oge, %add3A_1386, %ge3A_1388 : vector<64x128xf32>
    %mul3A_1390 = vector.broadcast %get3A_3 : f32 to vector<64x128xf32>
    %mul3A_1391 = arith.mulf %mul3A_1390, %add3A_1386 : vector<64x128xf32>
    %select_n3A_1392 = arith.select %ge3A_1389, %add3A_1386, %mul3A_1391 : vector<64x128xi1>, vector<64x128xf32>
    %add3A_1393 = arith.addf %add3A_1274, %select_n3A_1392 : vector<64x128xf32>
    %get3A_1394 = arith.constant 176 : index
    %get3A_1395 = arith.constant 0 : index
    %get3A_1396 = vector.load %arg2[%get3A_1394, %get3A_1395] : memref<256x128xf32, #tpu.memory_space<vmem>>, vector<1x128xf32>
    %broadcast_in_dim3A_1397 = vector.shape_cast %get3A_1396 : vector<1x128xf32> to vector<1x128xf32>
    %broadcast_in_dim3A_1398 = vector.broadcast %broadcast_in_dim3A_1397 : vector<1x128xf32> to vector<64x128xf32>
    %mul3A_1399 = arith.mulf %broadcast_in_dim3A_1398, %dot_general3A_11 : vector<64x128xf32>
    %add3A_1400 = arith.addf %broadcast_in_dim3A_7, %mul3A_1399 : vector<64x128xf32>
    %get3A_1401 = arith.constant 177 : index
    %get3A_1402 = arith.constant 0 : index
    %get3A_1403 = vector.load %arg2[%get3A_1401, %get3A_1402] : memref<256x128xf32, #tpu.memory_space<vmem>>, vector<1x128xf32>
    %broadcast_in_dim3A_1404 = vector.shape_cast %get3A_1403 : vector<1x128xf32> to vector<1x128xf32>
    %broadcast_in_dim3A_1405 = vector.broadcast %broadcast_in_dim3A_1404 : vector<1x128xf32> to vector<64x128xf32>
    %mul3A_1406 = arith.mulf %broadcast_in_dim3A_1405, %dot_general3A_16 : vector<64x128xf32>
    %add3A_1407 = arith.addf %add3A_1400, %mul3A_1406 : vector<64x128xf32>
    %get3A_1408 = arith.constant 178 : index
    %get3A_1409 = arith.constant 0 : index
    %get3A_1410 = vector.load %arg2[%get3A_1408, %get3A_1409] : memref<256x128xf32, #tpu.memory_space<vmem>>, vector<1x128xf32>
    %broadcast_in_dim3A_1411 = vector.shape_cast %get3A_1410 : vector<1x128xf32> to vector<1x128xf32>
    %broadcast_in_dim3A_1412 = vector.broadcast %broadcast_in_dim3A_1411 : vector<1x128xf32> to vector<64x128xf32>
    %mul3A_1413 = arith.mulf %broadcast_in_dim3A_1412, %dot_general3A_21 : vector<64x128xf32>
    %add3A_1414 = arith.addf %add3A_1407, %mul3A_1413 : vector<64x128xf32>
    %get3A_1415 = arith.constant 179 : index
    %get3A_1416 = arith.constant 0 : index
    %get3A_1417 = vector.load %arg2[%get3A_1415, %get3A_1416] : memref<256x128xf32, #tpu.memory_space<vmem>>, vector<1x128xf32>
    %broadcast_in_dim3A_1418 = vector.shape_cast %get3A_1417 : vector<1x128xf32> to vector<1x128xf32>
    %broadcast_in_dim3A_1419 = vector.broadcast %broadcast_in_dim3A_1418 : vector<1x128xf32> to vector<64x128xf32>
    %mul3A_1420 = arith.mulf %broadcast_in_dim3A_1419, %dot_general3A_26 : vector<64x128xf32>
    %add3A_1421 = arith.addf %add3A_1414, %mul3A_1420 : vector<64x128xf32>
    %get3A_1422 = arith.constant 180 : index
    %get3A_1423 = arith.constant 0 : index
    %get3A_1424 = vector.load %arg2[%get3A_1422, %get3A_1423] : memref<256x128xf32, #tpu.memory_space<vmem>>, vector<1x128xf32>
    %broadcast_in_dim3A_1425 = vector.shape_cast %get3A_1424 : vector<1x128xf32> to vector<1x128xf32>
    %broadcast_in_dim3A_1426 = vector.broadcast %broadcast_in_dim3A_1425 : vector<1x128xf32> to vector<64x128xf32>
    %mul3A_1427 = arith.mulf %broadcast_in_dim3A_1426, %dot_general3A_31 : vector<64x128xf32>
    %add3A_1428 = arith.addf %add3A_1421, %mul3A_1427 : vector<64x128xf32>
    %get3A_1429 = arith.constant 181 : index
    %get3A_1430 = arith.constant 0 : index
    %get3A_1431 = vector.load %arg2[%get3A_1429, %get3A_1430] : memref<256x128xf32, #tpu.memory_space<vmem>>, vector<1x128xf32>
    %broadcast_in_dim3A_1432 = vector.shape_cast %get3A_1431 : vector<1x128xf32> to vector<1x128xf32>
    %broadcast_in_dim3A_1433 = vector.broadcast %broadcast_in_dim3A_1432 : vector<1x128xf32> to vector<64x128xf32>
    %mul3A_1434 = arith.mulf %broadcast_in_dim3A_1433, %dot_general3A_36 : vector<64x128xf32>
    %add3A_1435 = arith.addf %add3A_1428, %mul3A_1434 : vector<64x128xf32>
    %get3A_1436 = arith.constant 182 : index
    %get3A_1437 = arith.constant 0 : index
    %get3A_1438 = vector.load %arg2[%get3A_1436, %get3A_1437] : memref<256x128xf32, #tpu.memory_space<vmem>>, vector<1x128xf32>
    %broadcast_in_dim3A_1439 = vector.shape_cast %get3A_1438 : vector<1x128xf32> to vector<1x128xf32>
    %broadcast_in_dim3A_1440 = vector.broadcast %broadcast_in_dim3A_1439 : vector<1x128xf32> to vector<64x128xf32>
    %mul3A_1441 = arith.mulf %broadcast_in_dim3A_1440, %dot_general3A_41 : vector<64x128xf32>
    %add3A_1442 = arith.addf %add3A_1435, %mul3A_1441 : vector<64x128xf32>
    %get3A_1443 = arith.constant 183 : index
    %get3A_1444 = arith.constant 0 : index
    %get3A_1445 = vector.load %arg2[%get3A_1443, %get3A_1444] : memref<256x128xf32, #tpu.memory_space<vmem>>, vector<1x128xf32>
    %broadcast_in_dim3A_1446 = vector.shape_cast %get3A_1445 : vector<1x128xf32> to vector<1x128xf32>
    %broadcast_in_dim3A_1447 = vector.broadcast %broadcast_in_dim3A_1446 : vector<1x128xf32> to vector<64x128xf32>
    %mul3A_1448 = arith.mulf %broadcast_in_dim3A_1447, %dot_general3A_46 : vector<64x128xf32>
    %add3A_1449 = arith.addf %add3A_1442, %mul3A_1448 : vector<64x128xf32>
    %get3A_1450 = arith.constant 184 : index
    %get3A_1451 = arith.constant 0 : index
    %get3A_1452 = vector.load %arg2[%get3A_1450, %get3A_1451] : memref<256x128xf32, #tpu.memory_space<vmem>>, vector<1x128xf32>
    %broadcast_in_dim3A_1453 = vector.shape_cast %get3A_1452 : vector<1x128xf32> to vector<1x128xf32>
    %broadcast_in_dim3A_1454 = vector.broadcast %broadcast_in_dim3A_1453 : vector<1x128xf32> to vector<64x128xf32>
    %mul3A_1455 = arith.mulf %broadcast_in_dim3A_1454, %dot_general3A_51 : vector<64x128xf32>
    %add3A_1456 = arith.addf %add3A_1449, %mul3A_1455 : vector<64x128xf32>
    %get3A_1457 = arith.constant 185 : index
    %get3A_1458 = arith.constant 0 : index
    %get3A_1459 = vector.load %arg2[%get3A_1457, %get3A_1458] : memref<256x128xf32, #tpu.memory_space<vmem>>, vector<1x128xf32>
    %broadcast_in_dim3A_1460 = vector.shape_cast %get3A_1459 : vector<1x128xf32> to vector<1x128xf32>
    %broadcast_in_dim3A_1461 = vector.broadcast %broadcast_in_dim3A_1460 : vector<1x128xf32> to vector<64x128xf32>
    %mul3A_1462 = arith.mulf %broadcast_in_dim3A_1461, %dot_general3A_56 : vector<64x128xf32>
    %add3A_1463 = arith.addf %add3A_1456, %mul3A_1462 : vector<64x128xf32>
    %get3A_1464 = arith.constant 186 : index
    %get3A_1465 = arith.constant 0 : index
    %get3A_1466 = vector.load %arg2[%get3A_1464, %get3A_1465] : memref<256x128xf32, #tpu.memory_space<vmem>>, vector<1x128xf32>
    %broadcast_in_dim3A_1467 = vector.shape_cast %get3A_1466 : vector<1x128xf32> to vector<1x128xf32>
    %broadcast_in_dim3A_1468 = vector.broadcast %broadcast_in_dim3A_1467 : vector<1x128xf32> to vector<64x128xf32>
    %mul3A_1469 = arith.mulf %broadcast_in_dim3A_1468, %dot_general3A_61 : vector<64x128xf32>
    %add3A_1470 = arith.addf %add3A_1463, %mul3A_1469 : vector<64x128xf32>
    %get3A_1471 = arith.constant 187 : index
    %get3A_1472 = arith.constant 0 : index
    %get3A_1473 = vector.load %arg2[%get3A_1471, %get3A_1472] : memref<256x128xf32, #tpu.memory_space<vmem>>, vector<1x128xf32>
    %broadcast_in_dim3A_1474 = vector.shape_cast %get3A_1473 : vector<1x128xf32> to vector<1x128xf32>
    %broadcast_in_dim3A_1475 = vector.broadcast %broadcast_in_dim3A_1474 : vector<1x128xf32> to vector<64x128xf32>
    %mul3A_1476 = arith.mulf %broadcast_in_dim3A_1475, %dot_general3A_66 : vector<64x128xf32>
    %add3A_1477 = arith.addf %add3A_1470, %mul3A_1476 : vector<64x128xf32>
    %get3A_1478 = arith.constant 188 : index
    %get3A_1479 = arith.constant 0 : index
    %get3A_1480 = vector.load %arg2[%get3A_1478, %get3A_1479] : memref<256x128xf32, #tpu.memory_space<vmem>>, vector<1x128xf32>
    %broadcast_in_dim3A_1481 = vector.shape_cast %get3A_1480 : vector<1x128xf32> to vector<1x128xf32>
    %broadcast_in_dim3A_1482 = vector.broadcast %broadcast_in_dim3A_1481 : vector<1x128xf32> to vector<64x128xf32>
    %mul3A_1483 = arith.mulf %broadcast_in_dim3A_1482, %dot_general3A_71 : vector<64x128xf32>
    %add3A_1484 = arith.addf %add3A_1477, %mul3A_1483 : vector<64x128xf32>
    %get3A_1485 = arith.constant 189 : index
    %get3A_1486 = arith.constant 0 : index
    %get3A_1487 = vector.load %arg2[%get3A_1485, %get3A_1486] : memref<256x128xf32, #tpu.memory_space<vmem>>, vector<1x128xf32>
    %broadcast_in_dim3A_1488 = vector.shape_cast %get3A_1487 : vector<1x128xf32> to vector<1x128xf32>
    %broadcast_in_dim3A_1489 = vector.broadcast %broadcast_in_dim3A_1488 : vector<1x128xf32> to vector<64x128xf32>
    %mul3A_1490 = arith.mulf %broadcast_in_dim3A_1489, %dot_general3A_76 : vector<64x128xf32>
    %add3A_1491 = arith.addf %add3A_1484, %mul3A_1490 : vector<64x128xf32>
    %get3A_1492 = arith.constant 190 : index
    %get3A_1493 = arith.constant 0 : index
    %get3A_1494 = vector.load %arg2[%get3A_1492, %get3A_1493] : memref<256x128xf32, #tpu.memory_space<vmem>>, vector<1x128xf32>
    %broadcast_in_dim3A_1495 = vector.shape_cast %get3A_1494 : vector<1x128xf32> to vector<1x128xf32>
    %broadcast_in_dim3A_1496 = vector.broadcast %broadcast_in_dim3A_1495 : vector<1x128xf32> to vector<64x128xf32>
    %mul3A_1497 = arith.mulf %broadcast_in_dim3A_1496, %dot_general3A_81 : vector<64x128xf32>
    %add3A_1498 = arith.addf %add3A_1491, %mul3A_1497 : vector<64x128xf32>
    %get3A_1499 = arith.constant 191 : index
    %get3A_1500 = arith.constant 0 : index
    %get3A_1501 = vector.load %arg2[%get3A_1499, %get3A_1500] : memref<256x128xf32, #tpu.memory_space<vmem>>, vector<1x128xf32>
    %broadcast_in_dim3A_1502 = vector.shape_cast %get3A_1501 : vector<1x128xf32> to vector<1x128xf32>
    %broadcast_in_dim3A_1503 = vector.broadcast %broadcast_in_dim3A_1502 : vector<1x128xf32> to vector<64x128xf32>
    %mul3A_1504 = arith.mulf %broadcast_in_dim3A_1503, %dot_general3A_86 : vector<64x128xf32>
    %add3A_1505 = arith.addf %add3A_1498, %mul3A_1504 : vector<64x128xf32>
    %ge3A_1506 = arith.constant 0.000000e+00 : f32
    %ge3A_1507 = vector.broadcast %ge3A_1506 : f32 to vector<64x128xf32>
    %ge3A_1508 = arith.cmpf oge, %add3A_1505, %ge3A_1507 : vector<64x128xf32>
    %mul3A_1509 = vector.broadcast %get3A_3 : f32 to vector<64x128xf32>
    %mul3A_1510 = arith.mulf %mul3A_1509, %add3A_1505 : vector<64x128xf32>
    %select_n3A_1511 = arith.select %ge3A_1508, %add3A_1505, %mul3A_1510 : vector<64x128xi1>, vector<64x128xf32>
    %add3A_1512 = arith.addf %add3A_1393, %select_n3A_1511 : vector<64x128xf32>
    %get3A_1513 = arith.constant 192 : index
    %get3A_1514 = arith.constant 0 : index
    %get3A_1515 = vector.load %arg2[%get3A_1513, %get3A_1514] : memref<256x128xf32, #tpu.memory_space<vmem>>, vector<1x128xf32>
    %broadcast_in_dim3A_1516 = vector.shape_cast %get3A_1515 : vector<1x128xf32> to vector<1x128xf32>
    %broadcast_in_dim3A_1517 = vector.broadcast %broadcast_in_dim3A_1516 : vector<1x128xf32> to vector<64x128xf32>
    %mul3A_1518 = arith.mulf %broadcast_in_dim3A_1517, %dot_general3A_11 : vector<64x128xf32>
    %add3A_1519 = arith.addf %broadcast_in_dim3A_7, %mul3A_1518 : vector<64x128xf32>
    %get3A_1520 = arith.constant 193 : index
    %get3A_1521 = arith.constant 0 : index
    %get3A_1522 = vector.load %arg2[%get3A_1520, %get3A_1521] : memref<256x128xf32, #tpu.memory_space<vmem>>, vector<1x128xf32>
    %broadcast_in_dim3A_1523 = vector.shape_cast %get3A_1522 : vector<1x128xf32> to vector<1x128xf32>
    %broadcast_in_dim3A_1524 = vector.broadcast %broadcast_in_dim3A_1523 : vector<1x128xf32> to vector<64x128xf32>
    %mul3A_1525 = arith.mulf %broadcast_in_dim3A_1524, %dot_general3A_16 : vector<64x128xf32>
    %add3A_1526 = arith.addf %add3A_1519, %mul3A_1525 : vector<64x128xf32>
    %get3A_1527 = arith.constant 194 : index
    %get3A_1528 = arith.constant 0 : index
    %get3A_1529 = vector.load %arg2[%get3A_1527, %get3A_1528] : memref<256x128xf32, #tpu.memory_space<vmem>>, vector<1x128xf32>
    %broadcast_in_dim3A_1530 = vector.shape_cast %get3A_1529 : vector<1x128xf32> to vector<1x128xf32>
    %broadcast_in_dim3A_1531 = vector.broadcast %broadcast_in_dim3A_1530 : vector<1x128xf32> to vector<64x128xf32>
    %mul3A_1532 = arith.mulf %broadcast_in_dim3A_1531, %dot_general3A_21 : vector<64x128xf32>
    %add3A_1533 = arith.addf %add3A_1526, %mul3A_1532 : vector<64x128xf32>
    %get3A_1534 = arith.constant 195 : index
    %get3A_1535 = arith.constant 0 : index
    %get3A_1536 = vector.load %arg2[%get3A_1534, %get3A_1535] : memref<256x128xf32, #tpu.memory_space<vmem>>, vector<1x128xf32>
    %broadcast_in_dim3A_1537 = vector.shape_cast %get3A_1536 : vector<1x128xf32> to vector<1x128xf32>
    %broadcast_in_dim3A_1538 = vector.broadcast %broadcast_in_dim3A_1537 : vector<1x128xf32> to vector<64x128xf32>
    %mul3A_1539 = arith.mulf %broadcast_in_dim3A_1538, %dot_general3A_26 : vector<64x128xf32>
    %add3A_1540 = arith.addf %add3A_1533, %mul3A_1539 : vector<64x128xf32>
    %get3A_1541 = arith.constant 196 : index
    %get3A_1542 = arith.constant 0 : index
    %get3A_1543 = vector.load %arg2[%get3A_1541, %get3A_1542] : memref<256x128xf32, #tpu.memory_space<vmem>>, vector<1x128xf32>
    %broadcast_in_dim3A_1544 = vector.shape_cast %get3A_1543 : vector<1x128xf32> to vector<1x128xf32>
    %broadcast_in_dim3A_1545 = vector.broadcast %broadcast_in_dim3A_1544 : vector<1x128xf32> to vector<64x128xf32>
    %mul3A_1546 = arith.mulf %broadcast_in_dim3A_1545, %dot_general3A_31 : vector<64x128xf32>
    %add3A_1547 = arith.addf %add3A_1540, %mul3A_1546 : vector<64x128xf32>
    %get3A_1548 = arith.constant 197 : index
    %get3A_1549 = arith.constant 0 : index
    %get3A_1550 = vector.load %arg2[%get3A_1548, %get3A_1549] : memref<256x128xf32, #tpu.memory_space<vmem>>, vector<1x128xf32>
    %broadcast_in_dim3A_1551 = vector.shape_cast %get3A_1550 : vector<1x128xf32> to vector<1x128xf32>
    %broadcast_in_dim3A_1552 = vector.broadcast %broadcast_in_dim3A_1551 : vector<1x128xf32> to vector<64x128xf32>
    %mul3A_1553 = arith.mulf %broadcast_in_dim3A_1552, %dot_general3A_36 : vector<64x128xf32>
    %add3A_1554 = arith.addf %add3A_1547, %mul3A_1553 : vector<64x128xf32>
    %get3A_1555 = arith.constant 198 : index
    %get3A_1556 = arith.constant 0 : index
    %get3A_1557 = vector.load %arg2[%get3A_1555, %get3A_1556] : memref<256x128xf32, #tpu.memory_space<vmem>>, vector<1x128xf32>
    %broadcast_in_dim3A_1558 = vector.shape_cast %get3A_1557 : vector<1x128xf32> to vector<1x128xf32>
    %broadcast_in_dim3A_1559 = vector.broadcast %broadcast_in_dim3A_1558 : vector<1x128xf32> to vector<64x128xf32>
    %mul3A_1560 = arith.mulf %broadcast_in_dim3A_1559, %dot_general3A_41 : vector<64x128xf32>
    %add3A_1561 = arith.addf %add3A_1554, %mul3A_1560 : vector<64x128xf32>
    %get3A_1562 = arith.constant 199 : index
    %get3A_1563 = arith.constant 0 : index
    %get3A_1564 = vector.load %arg2[%get3A_1562, %get3A_1563] : memref<256x128xf32, #tpu.memory_space<vmem>>, vector<1x128xf32>
    %broadcast_in_dim3A_1565 = vector.shape_cast %get3A_1564 : vector<1x128xf32> to vector<1x128xf32>
    %broadcast_in_dim3A_1566 = vector.broadcast %broadcast_in_dim3A_1565 : vector<1x128xf32> to vector<64x128xf32>
    %mul3A_1567 = arith.mulf %broadcast_in_dim3A_1566, %dot_general3A_46 : vector<64x128xf32>
    %add3A_1568 = arith.addf %add3A_1561, %mul3A_1567 : vector<64x128xf32>
    %get3A_1569 = arith.constant 200 : index
    %get3A_1570 = arith.constant 0 : index
    %get3A_1571 = vector.load %arg2[%get3A_1569, %get3A_1570] : memref<256x128xf32, #tpu.memory_space<vmem>>, vector<1x128xf32>
    %broadcast_in_dim3A_1572 = vector.shape_cast %get3A_1571 : vector<1x128xf32> to vector<1x128xf32>
    %broadcast_in_dim3A_1573 = vector.broadcast %broadcast_in_dim3A_1572 : vector<1x128xf32> to vector<64x128xf32>
    %mul3A_1574 = arith.mulf %broadcast_in_dim3A_1573, %dot_general3A_51 : vector<64x128xf32>
    %add3A_1575 = arith.addf %add3A_1568, %mul3A_1574 : vector<64x128xf32>
    %get3A_1576 = arith.constant 201 : index
    %get3A_1577 = arith.constant 0 : index
    %get3A_1578 = vector.load %arg2[%get3A_1576, %get3A_1577] : memref<256x128xf32, #tpu.memory_space<vmem>>, vector<1x128xf32>
    %broadcast_in_dim3A_1579 = vector.shape_cast %get3A_1578 : vector<1x128xf32> to vector<1x128xf32>
    %broadcast_in_dim3A_1580 = vector.broadcast %broadcast_in_dim3A_1579 : vector<1x128xf32> to vector<64x128xf32>
    %mul3A_1581 = arith.mulf %broadcast_in_dim3A_1580, %dot_general3A_56 : vector<64x128xf32>
    %add3A_1582 = arith.addf %add3A_1575, %mul3A_1581 : vector<64x128xf32>
    %get3A_1583 = arith.constant 202 : index
    %get3A_1584 = arith.constant 0 : index
    %get3A_1585 = vector.load %arg2[%get3A_1583, %get3A_1584] : memref<256x128xf32, #tpu.memory_space<vmem>>, vector<1x128xf32>
    %broadcast_in_dim3A_1586 = vector.shape_cast %get3A_1585 : vector<1x128xf32> to vector<1x128xf32>
    %broadcast_in_dim3A_1587 = vector.broadcast %broadcast_in_dim3A_1586 : vector<1x128xf32> to vector<64x128xf32>
    %mul3A_1588 = arith.mulf %broadcast_in_dim3A_1587, %dot_general3A_61 : vector<64x128xf32>
    %add3A_1589 = arith.addf %add3A_1582, %mul3A_1588 : vector<64x128xf32>
    %get3A_1590 = arith.constant 203 : index
    %get3A_1591 = arith.constant 0 : index
    %get3A_1592 = vector.load %arg2[%get3A_1590, %get3A_1591] : memref<256x128xf32, #tpu.memory_space<vmem>>, vector<1x128xf32>
    %broadcast_in_dim3A_1593 = vector.shape_cast %get3A_1592 : vector<1x128xf32> to vector<1x128xf32>
    %broadcast_in_dim3A_1594 = vector.broadcast %broadcast_in_dim3A_1593 : vector<1x128xf32> to vector<64x128xf32>
    %mul3A_1595 = arith.mulf %broadcast_in_dim3A_1594, %dot_general3A_66 : vector<64x128xf32>
    %add3A_1596 = arith.addf %add3A_1589, %mul3A_1595 : vector<64x128xf32>
    %get3A_1597 = arith.constant 204 : index
    %get3A_1598 = arith.constant 0 : index
    %get3A_1599 = vector.load %arg2[%get3A_1597, %get3A_1598] : memref<256x128xf32, #tpu.memory_space<vmem>>, vector<1x128xf32>
    %broadcast_in_dim3A_1600 = vector.shape_cast %get3A_1599 : vector<1x128xf32> to vector<1x128xf32>
    %broadcast_in_dim3A_1601 = vector.broadcast %broadcast_in_dim3A_1600 : vector<1x128xf32> to vector<64x128xf32>
    %mul3A_1602 = arith.mulf %broadcast_in_dim3A_1601, %dot_general3A_71 : vector<64x128xf32>
    %add3A_1603 = arith.addf %add3A_1596, %mul3A_1602 : vector<64x128xf32>
    %get3A_1604 = arith.constant 205 : index
    %get3A_1605 = arith.constant 0 : index
    %get3A_1606 = vector.load %arg2[%get3A_1604, %get3A_1605] : memref<256x128xf32, #tpu.memory_space<vmem>>, vector<1x128xf32>
    %broadcast_in_dim3A_1607 = vector.shape_cast %get3A_1606 : vector<1x128xf32> to vector<1x128xf32>
    %broadcast_in_dim3A_1608 = vector.broadcast %broadcast_in_dim3A_1607 : vector<1x128xf32> to vector<64x128xf32>
    %mul3A_1609 = arith.mulf %broadcast_in_dim3A_1608, %dot_general3A_76 : vector<64x128xf32>
    %add3A_1610 = arith.addf %add3A_1603, %mul3A_1609 : vector<64x128xf32>
    %get3A_1611 = arith.constant 206 : index
    %get3A_1612 = arith.constant 0 : index
    %get3A_1613 = vector.load %arg2[%get3A_1611, %get3A_1612] : memref<256x128xf32, #tpu.memory_space<vmem>>, vector<1x128xf32>
    %broadcast_in_dim3A_1614 = vector.shape_cast %get3A_1613 : vector<1x128xf32> to vector<1x128xf32>
    %broadcast_in_dim3A_1615 = vector.broadcast %broadcast_in_dim3A_1614 : vector<1x128xf32> to vector<64x128xf32>
    %mul3A_1616 = arith.mulf %broadcast_in_dim3A_1615, %dot_general3A_81 : vector<64x128xf32>
    %add3A_1617 = arith.addf %add3A_1610, %mul3A_1616 : vector<64x128xf32>
    %get3A_1618 = arith.constant 207 : index
    %get3A_1619 = arith.constant 0 : index
    %get3A_1620 = vector.load %arg2[%get3A_1618, %get3A_1619] : memref<256x128xf32, #tpu.memory_space<vmem>>, vector<1x128xf32>
    %broadcast_in_dim3A_1621 = vector.shape_cast %get3A_1620 : vector<1x128xf32> to vector<1x128xf32>
    %broadcast_in_dim3A_1622 = vector.broadcast %broadcast_in_dim3A_1621 : vector<1x128xf32> to vector<64x128xf32>
    %mul3A_1623 = arith.mulf %broadcast_in_dim3A_1622, %dot_general3A_86 : vector<64x128xf32>
    %add3A_1624 = arith.addf %add3A_1617, %mul3A_1623 : vector<64x128xf32>
    %ge3A_1625 = arith.constant 0.000000e+00 : f32
    %ge3A_1626 = vector.broadcast %ge3A_1625 : f32 to vector<64x128xf32>
    %ge3A_1627 = arith.cmpf oge, %add3A_1624, %ge3A_1626 : vector<64x128xf32>
    %mul3A_1628 = vector.broadcast %get3A_3 : f32 to vector<64x128xf32>
    %mul3A_1629 = arith.mulf %mul3A_1628, %add3A_1624 : vector<64x128xf32>
    %select_n3A_1630 = arith.select %ge3A_1627, %add3A_1624, %mul3A_1629 : vector<64x128xi1>, vector<64x128xf32>
    %add3A_1631 = arith.addf %add3A_1512, %select_n3A_1630 : vector<64x128xf32>
    %get3A_1632 = arith.constant 208 : index
    %get3A_1633 = arith.constant 0 : index
    %get3A_1634 = vector.load %arg2[%get3A_1632, %get3A_1633] : memref<256x128xf32, #tpu.memory_space<vmem>>, vector<1x128xf32>
    %broadcast_in_dim3A_1635 = vector.shape_cast %get3A_1634 : vector<1x128xf32> to vector<1x128xf32>
    %broadcast_in_dim3A_1636 = vector.broadcast %broadcast_in_dim3A_1635 : vector<1x128xf32> to vector<64x128xf32>
    %mul3A_1637 = arith.mulf %broadcast_in_dim3A_1636, %dot_general3A_11 : vector<64x128xf32>
    %add3A_1638 = arith.addf %broadcast_in_dim3A_7, %mul3A_1637 : vector<64x128xf32>
    %get3A_1639 = arith.constant 209 : index
    %get3A_1640 = arith.constant 0 : index
    %get3A_1641 = vector.load %arg2[%get3A_1639, %get3A_1640] : memref<256x128xf32, #tpu.memory_space<vmem>>, vector<1x128xf32>
    %broadcast_in_dim3A_1642 = vector.shape_cast %get3A_1641 : vector<1x128xf32> to vector<1x128xf32>
    %broadcast_in_dim3A_1643 = vector.broadcast %broadcast_in_dim3A_1642 : vector<1x128xf32> to vector<64x128xf32>
    %mul3A_1644 = arith.mulf %broadcast_in_dim3A_1643, %dot_general3A_16 : vector<64x128xf32>
    %add3A_1645 = arith.addf %add3A_1638, %mul3A_1644 : vector<64x128xf32>
    %get3A_1646 = arith.constant 210 : index
    %get3A_1647 = arith.constant 0 : index
    %get3A_1648 = vector.load %arg2[%get3A_1646, %get3A_1647] : memref<256x128xf32, #tpu.memory_space<vmem>>, vector<1x128xf32>
    %broadcast_in_dim3A_1649 = vector.shape_cast %get3A_1648 : vector<1x128xf32> to vector<1x128xf32>
    %broadcast_in_dim3A_1650 = vector.broadcast %broadcast_in_dim3A_1649 : vector<1x128xf32> to vector<64x128xf32>
    %mul3A_1651 = arith.mulf %broadcast_in_dim3A_1650, %dot_general3A_21 : vector<64x128xf32>
    %add3A_1652 = arith.addf %add3A_1645, %mul3A_1651 : vector<64x128xf32>
    %get3A_1653 = arith.constant 211 : index
    %get3A_1654 = arith.constant 0 : index
    %get3A_1655 = vector.load %arg2[%get3A_1653, %get3A_1654] : memref<256x128xf32, #tpu.memory_space<vmem>>, vector<1x128xf32>
    %broadcast_in_dim3A_1656 = vector.shape_cast %get3A_1655 : vector<1x128xf32> to vector<1x128xf32>
    %broadcast_in_dim3A_1657 = vector.broadcast %broadcast_in_dim3A_1656 : vector<1x128xf32> to vector<64x128xf32>
    %mul3A_1658 = arith.mulf %broadcast_in_dim3A_1657, %dot_general3A_26 : vector<64x128xf32>
    %add3A_1659 = arith.addf %add3A_1652, %mul3A_1658 : vector<64x128xf32>
    %get3A_1660 = arith.constant 212 : index
    %get3A_1661 = arith.constant 0 : index
    %get3A_1662 = vector.load %arg2[%get3A_1660, %get3A_1661] : memref<256x128xf32, #tpu.memory_space<vmem>>, vector<1x128xf32>
    %broadcast_in_dim3A_1663 = vector.shape_cast %get3A_1662 : vector<1x128xf32> to vector<1x128xf32>
    %broadcast_in_dim3A_1664 = vector.broadcast %broadcast_in_dim3A_1663 : vector<1x128xf32> to vector<64x128xf32>
    %mul3A_1665 = arith.mulf %broadcast_in_dim3A_1664, %dot_general3A_31 : vector<64x128xf32>
    %add3A_1666 = arith.addf %add3A_1659, %mul3A_1665 : vector<64x128xf32>
    %get3A_1667 = arith.constant 213 : index
    %get3A_1668 = arith.constant 0 : index
    %get3A_1669 = vector.load %arg2[%get3A_1667, %get3A_1668] : memref<256x128xf32, #tpu.memory_space<vmem>>, vector<1x128xf32>
    %broadcast_in_dim3A_1670 = vector.shape_cast %get3A_1669 : vector<1x128xf32> to vector<1x128xf32>
    %broadcast_in_dim3A_1671 = vector.broadcast %broadcast_in_dim3A_1670 : vector<1x128xf32> to vector<64x128xf32>
    %mul3A_1672 = arith.mulf %broadcast_in_dim3A_1671, %dot_general3A_36 : vector<64x128xf32>
    %add3A_1673 = arith.addf %add3A_1666, %mul3A_1672 : vector<64x128xf32>
    %get3A_1674 = arith.constant 214 : index
    %get3A_1675 = arith.constant 0 : index
    %get3A_1676 = vector.load %arg2[%get3A_1674, %get3A_1675] : memref<256x128xf32, #tpu.memory_space<vmem>>, vector<1x128xf32>
    %broadcast_in_dim3A_1677 = vector.shape_cast %get3A_1676 : vector<1x128xf32> to vector<1x128xf32>
    %broadcast_in_dim3A_1678 = vector.broadcast %broadcast_in_dim3A_1677 : vector<1x128xf32> to vector<64x128xf32>
    %mul3A_1679 = arith.mulf %broadcast_in_dim3A_1678, %dot_general3A_41 : vector<64x128xf32>
    %add3A_1680 = arith.addf %add3A_1673, %mul3A_1679 : vector<64x128xf32>
    %get3A_1681 = arith.constant 215 : index
    %get3A_1682 = arith.constant 0 : index
    %get3A_1683 = vector.load %arg2[%get3A_1681, %get3A_1682] : memref<256x128xf32, #tpu.memory_space<vmem>>, vector<1x128xf32>
    %broadcast_in_dim3A_1684 = vector.shape_cast %get3A_1683 : vector<1x128xf32> to vector<1x128xf32>
    %broadcast_in_dim3A_1685 = vector.broadcast %broadcast_in_dim3A_1684 : vector<1x128xf32> to vector<64x128xf32>
    %mul3A_1686 = arith.mulf %broadcast_in_dim3A_1685, %dot_general3A_46 : vector<64x128xf32>
    %add3A_1687 = arith.addf %add3A_1680, %mul3A_1686 : vector<64x128xf32>
    %get3A_1688 = arith.constant 216 : index
    %get3A_1689 = arith.constant 0 : index
    %get3A_1690 = vector.load %arg2[%get3A_1688, %get3A_1689] : memref<256x128xf32, #tpu.memory_space<vmem>>, vector<1x128xf32>
    %broadcast_in_dim3A_1691 = vector.shape_cast %get3A_1690 : vector<1x128xf32> to vector<1x128xf32>
    %broadcast_in_dim3A_1692 = vector.broadcast %broadcast_in_dim3A_1691 : vector<1x128xf32> to vector<64x128xf32>
    %mul3A_1693 = arith.mulf %broadcast_in_dim3A_1692, %dot_general3A_51 : vector<64x128xf32>
    %add3A_1694 = arith.addf %add3A_1687, %mul3A_1693 : vector<64x128xf32>
    %get3A_1695 = arith.constant 217 : index
    %get3A_1696 = arith.constant 0 : index
    %get3A_1697 = vector.load %arg2[%get3A_1695, %get3A_1696] : memref<256x128xf32, #tpu.memory_space<vmem>>, vector<1x128xf32>
    %broadcast_in_dim3A_1698 = vector.shape_cast %get3A_1697 : vector<1x128xf32> to vector<1x128xf32>
    %broadcast_in_dim3A_1699 = vector.broadcast %broadcast_in_dim3A_1698 : vector<1x128xf32> to vector<64x128xf32>
    %mul3A_1700 = arith.mulf %broadcast_in_dim3A_1699, %dot_general3A_56 : vector<64x128xf32>
    %add3A_1701 = arith.addf %add3A_1694, %mul3A_1700 : vector<64x128xf32>
    %get3A_1702 = arith.constant 218 : index
    %get3A_1703 = arith.constant 0 : index
    %get3A_1704 = vector.load %arg2[%get3A_1702, %get3A_1703] : memref<256x128xf32, #tpu.memory_space<vmem>>, vector<1x128xf32>
    %broadcast_in_dim3A_1705 = vector.shape_cast %get3A_1704 : vector<1x128xf32> to vector<1x128xf32>
    %broadcast_in_dim3A_1706 = vector.broadcast %broadcast_in_dim3A_1705 : vector<1x128xf32> to vector<64x128xf32>
    %mul3A_1707 = arith.mulf %broadcast_in_dim3A_1706, %dot_general3A_61 : vector<64x128xf32>
    %add3A_1708 = arith.addf %add3A_1701, %mul3A_1707 : vector<64x128xf32>
    %get3A_1709 = arith.constant 219 : index
    %get3A_1710 = arith.constant 0 : index
    %get3A_1711 = vector.load %arg2[%get3A_1709, %get3A_1710] : memref<256x128xf32, #tpu.memory_space<vmem>>, vector<1x128xf32>
    %broadcast_in_dim3A_1712 = vector.shape_cast %get3A_1711 : vector<1x128xf32> to vector<1x128xf32>
    %broadcast_in_dim3A_1713 = vector.broadcast %broadcast_in_dim3A_1712 : vector<1x128xf32> to vector<64x128xf32>
    %mul3A_1714 = arith.mulf %broadcast_in_dim3A_1713, %dot_general3A_66 : vector<64x128xf32>
    %add3A_1715 = arith.addf %add3A_1708, %mul3A_1714 : vector<64x128xf32>
    %get3A_1716 = arith.constant 220 : index
    %get3A_1717 = arith.constant 0 : index
    %get3A_1718 = vector.load %arg2[%get3A_1716, %get3A_1717] : memref<256x128xf32, #tpu.memory_space<vmem>>, vector<1x128xf32>
    %broadcast_in_dim3A_1719 = vector.shape_cast %get3A_1718 : vector<1x128xf32> to vector<1x128xf32>
    %broadcast_in_dim3A_1720 = vector.broadcast %broadcast_in_dim3A_1719 : vector<1x128xf32> to vector<64x128xf32>
    %mul3A_1721 = arith.mulf %broadcast_in_dim3A_1720, %dot_general3A_71 : vector<64x128xf32>
    %add3A_1722 = arith.addf %add3A_1715, %mul3A_1721 : vector<64x128xf32>
    %get3A_1723 = arith.constant 221 : index
    %get3A_1724 = arith.constant 0 : index
    %get3A_1725 = vector.load %arg2[%get3A_1723, %get3A_1724] : memref<256x128xf32, #tpu.memory_space<vmem>>, vector<1x128xf32>
    %broadcast_in_dim3A_1726 = vector.shape_cast %get3A_1725 : vector<1x128xf32> to vector<1x128xf32>
    %broadcast_in_dim3A_1727 = vector.broadcast %broadcast_in_dim3A_1726 : vector<1x128xf32> to vector<64x128xf32>
    %mul3A_1728 = arith.mulf %broadcast_in_dim3A_1727, %dot_general3A_76 : vector<64x128xf32>
    %add3A_1729 = arith.addf %add3A_1722, %mul3A_1728 : vector<64x128xf32>
    %get3A_1730 = arith.constant 222 : index
    %get3A_1731 = arith.constant 0 : index
    %get3A_1732 = vector.load %arg2[%get3A_1730, %get3A_1731] : memref<256x128xf32, #tpu.memory_space<vmem>>, vector<1x128xf32>
    %broadcast_in_dim3A_1733 = vector.shape_cast %get3A_1732 : vector<1x128xf32> to vector<1x128xf32>
    %broadcast_in_dim3A_1734 = vector.broadcast %broadcast_in_dim3A_1733 : vector<1x128xf32> to vector<64x128xf32>
    %mul3A_1735 = arith.mulf %broadcast_in_dim3A_1734, %dot_general3A_81 : vector<64x128xf32>
    %add3A_1736 = arith.addf %add3A_1729, %mul3A_1735 : vector<64x128xf32>
    %get3A_1737 = arith.constant 223 : index
    %get3A_1738 = arith.constant 0 : index
    %get3A_1739 = vector.load %arg2[%get3A_1737, %get3A_1738] : memref<256x128xf32, #tpu.memory_space<vmem>>, vector<1x128xf32>
    %broadcast_in_dim3A_1740 = vector.shape_cast %get3A_1739 : vector<1x128xf32> to vector<1x128xf32>
    %broadcast_in_dim3A_1741 = vector.broadcast %broadcast_in_dim3A_1740 : vector<1x128xf32> to vector<64x128xf32>
    %mul3A_1742 = arith.mulf %broadcast_in_dim3A_1741, %dot_general3A_86 : vector<64x128xf32>
    %add3A_1743 = arith.addf %add3A_1736, %mul3A_1742 : vector<64x128xf32>
    %ge3A_1744 = arith.constant 0.000000e+00 : f32
    %ge3A_1745 = vector.broadcast %ge3A_1744 : f32 to vector<64x128xf32>
    %ge3A_1746 = arith.cmpf oge, %add3A_1743, %ge3A_1745 : vector<64x128xf32>
    %mul3A_1747 = vector.broadcast %get3A_3 : f32 to vector<64x128xf32>
    %mul3A_1748 = arith.mulf %mul3A_1747, %add3A_1743 : vector<64x128xf32>
    %select_n3A_1749 = arith.select %ge3A_1746, %add3A_1743, %mul3A_1748 : vector<64x128xi1>, vector<64x128xf32>
    %add3A_1750 = arith.addf %add3A_1631, %select_n3A_1749 : vector<64x128xf32>
    %get3A_1751 = arith.constant 224 : index
    %get3A_1752 = arith.constant 0 : index
    %get3A_1753 = vector.load %arg2[%get3A_1751, %get3A_1752] : memref<256x128xf32, #tpu.memory_space<vmem>>, vector<1x128xf32>
    %broadcast_in_dim3A_1754 = vector.shape_cast %get3A_1753 : vector<1x128xf32> to vector<1x128xf32>
    %broadcast_in_dim3A_1755 = vector.broadcast %broadcast_in_dim3A_1754 : vector<1x128xf32> to vector<64x128xf32>
    %mul3A_1756 = arith.mulf %broadcast_in_dim3A_1755, %dot_general3A_11 : vector<64x128xf32>
    %add3A_1757 = arith.addf %broadcast_in_dim3A_7, %mul3A_1756 : vector<64x128xf32>
    %get3A_1758 = arith.constant 225 : index
    %get3A_1759 = arith.constant 0 : index
    %get3A_1760 = vector.load %arg2[%get3A_1758, %get3A_1759] : memref<256x128xf32, #tpu.memory_space<vmem>>, vector<1x128xf32>
    %broadcast_in_dim3A_1761 = vector.shape_cast %get3A_1760 : vector<1x128xf32> to vector<1x128xf32>
    %broadcast_in_dim3A_1762 = vector.broadcast %broadcast_in_dim3A_1761 : vector<1x128xf32> to vector<64x128xf32>
    %mul3A_1763 = arith.mulf %broadcast_in_dim3A_1762, %dot_general3A_16 : vector<64x128xf32>
    %add3A_1764 = arith.addf %add3A_1757, %mul3A_1763 : vector<64x128xf32>
    %get3A_1765 = arith.constant 226 : index
    %get3A_1766 = arith.constant 0 : index
    %get3A_1767 = vector.load %arg2[%get3A_1765, %get3A_1766] : memref<256x128xf32, #tpu.memory_space<vmem>>, vector<1x128xf32>
    %broadcast_in_dim3A_1768 = vector.shape_cast %get3A_1767 : vector<1x128xf32> to vector<1x128xf32>
    %broadcast_in_dim3A_1769 = vector.broadcast %broadcast_in_dim3A_1768 : vector<1x128xf32> to vector<64x128xf32>
    %mul3A_1770 = arith.mulf %broadcast_in_dim3A_1769, %dot_general3A_21 : vector<64x128xf32>
    %add3A_1771 = arith.addf %add3A_1764, %mul3A_1770 : vector<64x128xf32>
    %get3A_1772 = arith.constant 227 : index
    %get3A_1773 = arith.constant 0 : index
    %get3A_1774 = vector.load %arg2[%get3A_1772, %get3A_1773] : memref<256x128xf32, #tpu.memory_space<vmem>>, vector<1x128xf32>
    %broadcast_in_dim3A_1775 = vector.shape_cast %get3A_1774 : vector<1x128xf32> to vector<1x128xf32>
    %broadcast_in_dim3A_1776 = vector.broadcast %broadcast_in_dim3A_1775 : vector<1x128xf32> to vector<64x128xf32>
    %mul3A_1777 = arith.mulf %broadcast_in_dim3A_1776, %dot_general3A_26 : vector<64x128xf32>
    %add3A_1778 = arith.addf %add3A_1771, %mul3A_1777 : vector<64x128xf32>
    %get3A_1779 = arith.constant 228 : index
    %get3A_1780 = arith.constant 0 : index
    %get3A_1781 = vector.load %arg2[%get3A_1779, %get3A_1780] : memref<256x128xf32, #tpu.memory_space<vmem>>, vector<1x128xf32>
    %broadcast_in_dim3A_1782 = vector.shape_cast %get3A_1781 : vector<1x128xf32> to vector<1x128xf32>
    %broadcast_in_dim3A_1783 = vector.broadcast %broadcast_in_dim3A_1782 : vector<1x128xf32> to vector<64x128xf32>
    %mul3A_1784 = arith.mulf %broadcast_in_dim3A_1783, %dot_general3A_31 : vector<64x128xf32>
    %add3A_1785 = arith.addf %add3A_1778, %mul3A_1784 : vector<64x128xf32>
    %get3A_1786 = arith.constant 229 : index
    %get3A_1787 = arith.constant 0 : index
    %get3A_1788 = vector.load %arg2[%get3A_1786, %get3A_1787] : memref<256x128xf32, #tpu.memory_space<vmem>>, vector<1x128xf32>
    %broadcast_in_dim3A_1789 = vector.shape_cast %get3A_1788 : vector<1x128xf32> to vector<1x128xf32>
    %broadcast_in_dim3A_1790 = vector.broadcast %broadcast_in_dim3A_1789 : vector<1x128xf32> to vector<64x128xf32>
    %mul3A_1791 = arith.mulf %broadcast_in_dim3A_1790, %dot_general3A_36 : vector<64x128xf32>
    %add3A_1792 = arith.addf %add3A_1785, %mul3A_1791 : vector<64x128xf32>
    %get3A_1793 = arith.constant 230 : index
    %get3A_1794 = arith.constant 0 : index
    %get3A_1795 = vector.load %arg2[%get3A_1793, %get3A_1794] : memref<256x128xf32, #tpu.memory_space<vmem>>, vector<1x128xf32>
    %broadcast_in_dim3A_1796 = vector.shape_cast %get3A_1795 : vector<1x128xf32> to vector<1x128xf32>
    %broadcast_in_dim3A_1797 = vector.broadcast %broadcast_in_dim3A_1796 : vector<1x128xf32> to vector<64x128xf32>
    %mul3A_1798 = arith.mulf %broadcast_in_dim3A_1797, %dot_general3A_41 : vector<64x128xf32>
    %add3A_1799 = arith.addf %add3A_1792, %mul3A_1798 : vector<64x128xf32>
    %get3A_1800 = arith.constant 231 : index
    %get3A_1801 = arith.constant 0 : index
    %get3A_1802 = vector.load %arg2[%get3A_1800, %get3A_1801] : memref<256x128xf32, #tpu.memory_space<vmem>>, vector<1x128xf32>
    %broadcast_in_dim3A_1803 = vector.shape_cast %get3A_1802 : vector<1x128xf32> to vector<1x128xf32>
    %broadcast_in_dim3A_1804 = vector.broadcast %broadcast_in_dim3A_1803 : vector<1x128xf32> to vector<64x128xf32>
    %mul3A_1805 = arith.mulf %broadcast_in_dim3A_1804, %dot_general3A_46 : vector<64x128xf32>
    %add3A_1806 = arith.addf %add3A_1799, %mul3A_1805 : vector<64x128xf32>
    %get3A_1807 = arith.constant 232 : index
    %get3A_1808 = arith.constant 0 : index
    %get3A_1809 = vector.load %arg2[%get3A_1807, %get3A_1808] : memref<256x128xf32, #tpu.memory_space<vmem>>, vector<1x128xf32>
    %broadcast_in_dim3A_1810 = vector.shape_cast %get3A_1809 : vector<1x128xf32> to vector<1x128xf32>
    %broadcast_in_dim3A_1811 = vector.broadcast %broadcast_in_dim3A_1810 : vector<1x128xf32> to vector<64x128xf32>
    %mul3A_1812 = arith.mulf %broadcast_in_dim3A_1811, %dot_general3A_51 : vector<64x128xf32>
    %add3A_1813 = arith.addf %add3A_1806, %mul3A_1812 : vector<64x128xf32>
    %get3A_1814 = arith.constant 233 : index
    %get3A_1815 = arith.constant 0 : index
    %get3A_1816 = vector.load %arg2[%get3A_1814, %get3A_1815] : memref<256x128xf32, #tpu.memory_space<vmem>>, vector<1x128xf32>
    %broadcast_in_dim3A_1817 = vector.shape_cast %get3A_1816 : vector<1x128xf32> to vector<1x128xf32>
    %broadcast_in_dim3A_1818 = vector.broadcast %broadcast_in_dim3A_1817 : vector<1x128xf32> to vector<64x128xf32>
    %mul3A_1819 = arith.mulf %broadcast_in_dim3A_1818, %dot_general3A_56 : vector<64x128xf32>
    %add3A_1820 = arith.addf %add3A_1813, %mul3A_1819 : vector<64x128xf32>
    %get3A_1821 = arith.constant 234 : index
    %get3A_1822 = arith.constant 0 : index
    %get3A_1823 = vector.load %arg2[%get3A_1821, %get3A_1822] : memref<256x128xf32, #tpu.memory_space<vmem>>, vector<1x128xf32>
    %broadcast_in_dim3A_1824 = vector.shape_cast %get3A_1823 : vector<1x128xf32> to vector<1x128xf32>
    %broadcast_in_dim3A_1825 = vector.broadcast %broadcast_in_dim3A_1824 : vector<1x128xf32> to vector<64x128xf32>
    %mul3A_1826 = arith.mulf %broadcast_in_dim3A_1825, %dot_general3A_61 : vector<64x128xf32>
    %add3A_1827 = arith.addf %add3A_1820, %mul3A_1826 : vector<64x128xf32>
    %get3A_1828 = arith.constant 235 : index
    %get3A_1829 = arith.constant 0 : index
    %get3A_1830 = vector.load %arg2[%get3A_1828, %get3A_1829] : memref<256x128xf32, #tpu.memory_space<vmem>>, vector<1x128xf32>
    %broadcast_in_dim3A_1831 = vector.shape_cast %get3A_1830 : vector<1x128xf32> to vector<1x128xf32>
    %broadcast_in_dim3A_1832 = vector.broadcast %broadcast_in_dim3A_1831 : vector<1x128xf32> to vector<64x128xf32>
    %mul3A_1833 = arith.mulf %broadcast_in_dim3A_1832, %dot_general3A_66 : vector<64x128xf32>
    %add3A_1834 = arith.addf %add3A_1827, %mul3A_1833 : vector<64x128xf32>
    %get3A_1835 = arith.constant 236 : index
    %get3A_1836 = arith.constant 0 : index
    %get3A_1837 = vector.load %arg2[%get3A_1835, %get3A_1836] : memref<256x128xf32, #tpu.memory_space<vmem>>, vector<1x128xf32>
    %broadcast_in_dim3A_1838 = vector.shape_cast %get3A_1837 : vector<1x128xf32> to vector<1x128xf32>
    %broadcast_in_dim3A_1839 = vector.broadcast %broadcast_in_dim3A_1838 : vector<1x128xf32> to vector<64x128xf32>
    %mul3A_1840 = arith.mulf %broadcast_in_dim3A_1839, %dot_general3A_71 : vector<64x128xf32>
    %add3A_1841 = arith.addf %add3A_1834, %mul3A_1840 : vector<64x128xf32>
    %get3A_1842 = arith.constant 237 : index
    %get3A_1843 = arith.constant 0 : index
    %get3A_1844 = vector.load %arg2[%get3A_1842, %get3A_1843] : memref<256x128xf32, #tpu.memory_space<vmem>>, vector<1x128xf32>
    %broadcast_in_dim3A_1845 = vector.shape_cast %get3A_1844 : vector<1x128xf32> to vector<1x128xf32>
    %broadcast_in_dim3A_1846 = vector.broadcast %broadcast_in_dim3A_1845 : vector<1x128xf32> to vector<64x128xf32>
    %mul3A_1847 = arith.mulf %broadcast_in_dim3A_1846, %dot_general3A_76 : vector<64x128xf32>
    %add3A_1848 = arith.addf %add3A_1841, %mul3A_1847 : vector<64x128xf32>
    %get3A_1849 = arith.constant 238 : index
    %get3A_1850 = arith.constant 0 : index
    %get3A_1851 = vector.load %arg2[%get3A_1849, %get3A_1850] : memref<256x128xf32, #tpu.memory_space<vmem>>, vector<1x128xf32>
    %broadcast_in_dim3A_1852 = vector.shape_cast %get3A_1851 : vector<1x128xf32> to vector<1x128xf32>
    %broadcast_in_dim3A_1853 = vector.broadcast %broadcast_in_dim3A_1852 : vector<1x128xf32> to vector<64x128xf32>
    %mul3A_1854 = arith.mulf %broadcast_in_dim3A_1853, %dot_general3A_81 : vector<64x128xf32>
    %add3A_1855 = arith.addf %add3A_1848, %mul3A_1854 : vector<64x128xf32>
    %get3A_1856 = arith.constant 239 : index
    %get3A_1857 = arith.constant 0 : index
    %get3A_1858 = vector.load %arg2[%get3A_1856, %get3A_1857] : memref<256x128xf32, #tpu.memory_space<vmem>>, vector<1x128xf32>
    %broadcast_in_dim3A_1859 = vector.shape_cast %get3A_1858 : vector<1x128xf32> to vector<1x128xf32>
    %broadcast_in_dim3A_1860 = vector.broadcast %broadcast_in_dim3A_1859 : vector<1x128xf32> to vector<64x128xf32>
    %mul3A_1861 = arith.mulf %broadcast_in_dim3A_1860, %dot_general3A_86 : vector<64x128xf32>
    %add3A_1862 = arith.addf %add3A_1855, %mul3A_1861 : vector<64x128xf32>
    %ge3A_1863 = arith.constant 0.000000e+00 : f32
    %ge3A_1864 = vector.broadcast %ge3A_1863 : f32 to vector<64x128xf32>
    %ge3A_1865 = arith.cmpf oge, %add3A_1862, %ge3A_1864 : vector<64x128xf32>
    %mul3A_1866 = vector.broadcast %get3A_3 : f32 to vector<64x128xf32>
    %mul3A_1867 = arith.mulf %mul3A_1866, %add3A_1862 : vector<64x128xf32>
    %select_n3A_1868 = arith.select %ge3A_1865, %add3A_1862, %mul3A_1867 : vector<64x128xi1>, vector<64x128xf32>
    %add3A_1869 = arith.addf %add3A_1750, %select_n3A_1868 : vector<64x128xf32>
    %get3A_1870 = arith.constant 240 : index
    %get3A_1871 = arith.constant 0 : index
    %get3A_1872 = vector.load %arg2[%get3A_1870, %get3A_1871] : memref<256x128xf32, #tpu.memory_space<vmem>>, vector<1x128xf32>
    %broadcast_in_dim3A_1873 = vector.shape_cast %get3A_1872 : vector<1x128xf32> to vector<1x128xf32>
    %broadcast_in_dim3A_1874 = vector.broadcast %broadcast_in_dim3A_1873 : vector<1x128xf32> to vector<64x128xf32>
    %mul3A_1875 = arith.mulf %broadcast_in_dim3A_1874, %dot_general3A_11 : vector<64x128xf32>
    %add3A_1876 = arith.addf %broadcast_in_dim3A_7, %mul3A_1875 : vector<64x128xf32>
    %get3A_1877 = arith.constant 241 : index
    %get3A_1878 = arith.constant 0 : index
    %get3A_1879 = vector.load %arg2[%get3A_1877, %get3A_1878] : memref<256x128xf32, #tpu.memory_space<vmem>>, vector<1x128xf32>
    %broadcast_in_dim3A_1880 = vector.shape_cast %get3A_1879 : vector<1x128xf32> to vector<1x128xf32>
    %broadcast_in_dim3A_1881 = vector.broadcast %broadcast_in_dim3A_1880 : vector<1x128xf32> to vector<64x128xf32>
    %mul3A_1882 = arith.mulf %broadcast_in_dim3A_1881, %dot_general3A_16 : vector<64x128xf32>
    %add3A_1883 = arith.addf %add3A_1876, %mul3A_1882 : vector<64x128xf32>
    %get3A_1884 = arith.constant 242 : index
    %get3A_1885 = arith.constant 0 : index
    %get3A_1886 = vector.load %arg2[%get3A_1884, %get3A_1885] : memref<256x128xf32, #tpu.memory_space<vmem>>, vector<1x128xf32>
    %broadcast_in_dim3A_1887 = vector.shape_cast %get3A_1886 : vector<1x128xf32> to vector<1x128xf32>
    %broadcast_in_dim3A_1888 = vector.broadcast %broadcast_in_dim3A_1887 : vector<1x128xf32> to vector<64x128xf32>
    %mul3A_1889 = arith.mulf %broadcast_in_dim3A_1888, %dot_general3A_21 : vector<64x128xf32>
    %add3A_1890 = arith.addf %add3A_1883, %mul3A_1889 : vector<64x128xf32>
    %get3A_1891 = arith.constant 243 : index
    %get3A_1892 = arith.constant 0 : index
    %get3A_1893 = vector.load %arg2[%get3A_1891, %get3A_1892] : memref<256x128xf32, #tpu.memory_space<vmem>>, vector<1x128xf32>
    %broadcast_in_dim3A_1894 = vector.shape_cast %get3A_1893 : vector<1x128xf32> to vector<1x128xf32>
    %broadcast_in_dim3A_1895 = vector.broadcast %broadcast_in_dim3A_1894 : vector<1x128xf32> to vector<64x128xf32>
    %mul3A_1896 = arith.mulf %broadcast_in_dim3A_1895, %dot_general3A_26 : vector<64x128xf32>
    %add3A_1897 = arith.addf %add3A_1890, %mul3A_1896 : vector<64x128xf32>
    %get3A_1898 = arith.constant 244 : index
    %get3A_1899 = arith.constant 0 : index
    %get3A_1900 = vector.load %arg2[%get3A_1898, %get3A_1899] : memref<256x128xf32, #tpu.memory_space<vmem>>, vector<1x128xf32>
    %broadcast_in_dim3A_1901 = vector.shape_cast %get3A_1900 : vector<1x128xf32> to vector<1x128xf32>
    %broadcast_in_dim3A_1902 = vector.broadcast %broadcast_in_dim3A_1901 : vector<1x128xf32> to vector<64x128xf32>
    %mul3A_1903 = arith.mulf %broadcast_in_dim3A_1902, %dot_general3A_31 : vector<64x128xf32>
    %add3A_1904 = arith.addf %add3A_1897, %mul3A_1903 : vector<64x128xf32>
    %get3A_1905 = arith.constant 245 : index
    %get3A_1906 = arith.constant 0 : index
    %get3A_1907 = vector.load %arg2[%get3A_1905, %get3A_1906] : memref<256x128xf32, #tpu.memory_space<vmem>>, vector<1x128xf32>
    %broadcast_in_dim3A_1908 = vector.shape_cast %get3A_1907 : vector<1x128xf32> to vector<1x128xf32>
    %broadcast_in_dim3A_1909 = vector.broadcast %broadcast_in_dim3A_1908 : vector<1x128xf32> to vector<64x128xf32>
    %mul3A_1910 = arith.mulf %broadcast_in_dim3A_1909, %dot_general3A_36 : vector<64x128xf32>
    %add3A_1911 = arith.addf %add3A_1904, %mul3A_1910 : vector<64x128xf32>
    %get3A_1912 = arith.constant 246 : index
    %get3A_1913 = arith.constant 0 : index
    %get3A_1914 = vector.load %arg2[%get3A_1912, %get3A_1913] : memref<256x128xf32, #tpu.memory_space<vmem>>, vector<1x128xf32>
    %broadcast_in_dim3A_1915 = vector.shape_cast %get3A_1914 : vector<1x128xf32> to vector<1x128xf32>
    %broadcast_in_dim3A_1916 = vector.broadcast %broadcast_in_dim3A_1915 : vector<1x128xf32> to vector<64x128xf32>
    %mul3A_1917 = arith.mulf %broadcast_in_dim3A_1916, %dot_general3A_41 : vector<64x128xf32>
    %add3A_1918 = arith.addf %add3A_1911, %mul3A_1917 : vector<64x128xf32>
    %get3A_1919 = arith.constant 247 : index
    %get3A_1920 = arith.constant 0 : index
    %get3A_1921 = vector.load %arg2[%get3A_1919, %get3A_1920] : memref<256x128xf32, #tpu.memory_space<vmem>>, vector<1x128xf32>
    %broadcast_in_dim3A_1922 = vector.shape_cast %get3A_1921 : vector<1x128xf32> to vector<1x128xf32>
    %broadcast_in_dim3A_1923 = vector.broadcast %broadcast_in_dim3A_1922 : vector<1x128xf32> to vector<64x128xf32>
    %mul3A_1924 = arith.mulf %broadcast_in_dim3A_1923, %dot_general3A_46 : vector<64x128xf32>
    %add3A_1925 = arith.addf %add3A_1918, %mul3A_1924 : vector<64x128xf32>
    %get3A_1926 = arith.constant 248 : index
    %get3A_1927 = arith.constant 0 : index
    %get3A_1928 = vector.load %arg2[%get3A_1926, %get3A_1927] : memref<256x128xf32, #tpu.memory_space<vmem>>, vector<1x128xf32>
    %broadcast_in_dim3A_1929 = vector.shape_cast %get3A_1928 : vector<1x128xf32> to vector<1x128xf32>
    %broadcast_in_dim3A_1930 = vector.broadcast %broadcast_in_dim3A_1929 : vector<1x128xf32> to vector<64x128xf32>
    %mul3A_1931 = arith.mulf %broadcast_in_dim3A_1930, %dot_general3A_51 : vector<64x128xf32>
    %add3A_1932 = arith.addf %add3A_1925, %mul3A_1931 : vector<64x128xf32>
    %get3A_1933 = arith.constant 249 : index
    %get3A_1934 = arith.constant 0 : index
    %get3A_1935 = vector.load %arg2[%get3A_1933, %get3A_1934] : memref<256x128xf32, #tpu.memory_space<vmem>>, vector<1x128xf32>
    %broadcast_in_dim3A_1936 = vector.shape_cast %get3A_1935 : vector<1x128xf32> to vector<1x128xf32>
    %broadcast_in_dim3A_1937 = vector.broadcast %broadcast_in_dim3A_1936 : vector<1x128xf32> to vector<64x128xf32>
    %mul3A_1938 = arith.mulf %broadcast_in_dim3A_1937, %dot_general3A_56 : vector<64x128xf32>
    %add3A_1939 = arith.addf %add3A_1932, %mul3A_1938 : vector<64x128xf32>
    %get3A_1940 = arith.constant 250 : index
    %get3A_1941 = arith.constant 0 : index
    %get3A_1942 = vector.load %arg2[%get3A_1940, %get3A_1941] : memref<256x128xf32, #tpu.memory_space<vmem>>, vector<1x128xf32>
    %broadcast_in_dim3A_1943 = vector.shape_cast %get3A_1942 : vector<1x128xf32> to vector<1x128xf32>
    %broadcast_in_dim3A_1944 = vector.broadcast %broadcast_in_dim3A_1943 : vector<1x128xf32> to vector<64x128xf32>
    %mul3A_1945 = arith.mulf %broadcast_in_dim3A_1944, %dot_general3A_61 : vector<64x128xf32>
    %add3A_1946 = arith.addf %add3A_1939, %mul3A_1945 : vector<64x128xf32>
    %get3A_1947 = arith.constant 251 : index
    %get3A_1948 = arith.constant 0 : index
    %get3A_1949 = vector.load %arg2[%get3A_1947, %get3A_1948] : memref<256x128xf32, #tpu.memory_space<vmem>>, vector<1x128xf32>
    %broadcast_in_dim3A_1950 = vector.shape_cast %get3A_1949 : vector<1x128xf32> to vector<1x128xf32>
    %broadcast_in_dim3A_1951 = vector.broadcast %broadcast_in_dim3A_1950 : vector<1x128xf32> to vector<64x128xf32>
    %mul3A_1952 = arith.mulf %broadcast_in_dim3A_1951, %dot_general3A_66 : vector<64x128xf32>
    %add3A_1953 = arith.addf %add3A_1946, %mul3A_1952 : vector<64x128xf32>
    %get3A_1954 = arith.constant 252 : index
    %get3A_1955 = arith.constant 0 : index
    %get3A_1956 = vector.load %arg2[%get3A_1954, %get3A_1955] : memref<256x128xf32, #tpu.memory_space<vmem>>, vector<1x128xf32>
    %broadcast_in_dim3A_1957 = vector.shape_cast %get3A_1956 : vector<1x128xf32> to vector<1x128xf32>
    %broadcast_in_dim3A_1958 = vector.broadcast %broadcast_in_dim3A_1957 : vector<1x128xf32> to vector<64x128xf32>
    %mul3A_1959 = arith.mulf %broadcast_in_dim3A_1958, %dot_general3A_71 : vector<64x128xf32>
    %add3A_1960 = arith.addf %add3A_1953, %mul3A_1959 : vector<64x128xf32>
    %get3A_1961 = arith.constant 253 : index
    %get3A_1962 = arith.constant 0 : index
    %get3A_1963 = vector.load %arg2[%get3A_1961, %get3A_1962] : memref<256x128xf32, #tpu.memory_space<vmem>>, vector<1x128xf32>
    %broadcast_in_dim3A_1964 = vector.shape_cast %get3A_1963 : vector<1x128xf32> to vector<1x128xf32>
    %broadcast_in_dim3A_1965 = vector.broadcast %broadcast_in_dim3A_1964 : vector<1x128xf32> to vector<64x128xf32>
    %mul3A_1966 = arith.mulf %broadcast_in_dim3A_1965, %dot_general3A_76 : vector<64x128xf32>
    %add3A_1967 = arith.addf %add3A_1960, %mul3A_1966 : vector<64x128xf32>
    %get3A_1968 = arith.constant 254 : index
    %get3A_1969 = arith.constant 0 : index
    %get3A_1970 = vector.load %arg2[%get3A_1968, %get3A_1969] : memref<256x128xf32, #tpu.memory_space<vmem>>, vector<1x128xf32>
    %broadcast_in_dim3A_1971 = vector.shape_cast %get3A_1970 : vector<1x128xf32> to vector<1x128xf32>
    %broadcast_in_dim3A_1972 = vector.broadcast %broadcast_in_dim3A_1971 : vector<1x128xf32> to vector<64x128xf32>
    %mul3A_1973 = arith.mulf %broadcast_in_dim3A_1972, %dot_general3A_81 : vector<64x128xf32>
    %add3A_1974 = arith.addf %add3A_1967, %mul3A_1973 : vector<64x128xf32>
    %get3A_1975 = arith.constant 255 : index
    %get3A_1976 = arith.constant 0 : index
    %get3A_1977 = vector.load %arg2[%get3A_1975, %get3A_1976] : memref<256x128xf32, #tpu.memory_space<vmem>>, vector<1x128xf32>
    %broadcast_in_dim3A_1978 = vector.shape_cast %get3A_1977 : vector<1x128xf32> to vector<1x128xf32>
    %broadcast_in_dim3A_1979 = vector.broadcast %broadcast_in_dim3A_1978 : vector<1x128xf32> to vector<64x128xf32>
    %mul3A_1980 = arith.mulf %broadcast_in_dim3A_1979, %dot_general3A_86 : vector<64x128xf32>
    %add3A_1981 = arith.addf %add3A_1974, %mul3A_1980 : vector<64x128xf32>
    %ge3A_1982 = arith.constant 0.000000e+00 : f32
    %ge3A_1983 = vector.broadcast %ge3A_1982 : f32 to vector<64x128xf32>
    %ge3A_1984 = arith.cmpf oge, %add3A_1981, %ge3A_1983 : vector<64x128xf32>
    %mul3A_1985 = vector.broadcast %get3A_3 : f32 to vector<64x128xf32>
    %mul3A_1986 = arith.mulf %mul3A_1985, %add3A_1981 : vector<64x128xf32>
    %select_n3A_1987 = arith.select %ge3A_1984, %add3A_1981, %mul3A_1986 : vector<64x128xi1>, vector<64x128xf32>
    %swap3A = arith.constant 0 : index
    %swap3A_1988 = arith.constant 0 : index
    %swap3A_1989 = vector.load %arg6[%swap3A, %swap3A_1988] : memref<64x128xf32, #tpu.memory_space<vmem>>, vector<64x128xf32>
    tpu.vector_store %arg6[%swap3A, %swap3A_1988], %select_n3A_1987 {strides = array<i32>} : memref<64x128xf32, #tpu.memory_space<vmem>>, vector<64x128xf32>,
    %mul3A_1990 = arith.constant 0.0666666701 : f32
    %mul3A_1991 = vector.broadcast %mul3A_1990 : f32 to vector<64x128xf32>
    %mul3A_1992 = arith.mulf %add3A_1869, %mul3A_1991 : vector<64x128xf32>
    %swap3A_1993 = arith.constant 0 : index
    %swap3A_1994 = arith.constant 0 : index
    %swap3A_1995 = vector.load %arg7[%swap3A_1993, %swap3A_1994] : memref<64x128xf32, #tpu.memory_space<vmem>>, vector<64x128xf32>
    tpu.vector_store %arg7[%swap3A_1993, %swap3A_1994], %mul3A_1992 {strides = array<i32>} : memref<64x128xf32, #tpu.memory_space<vmem>>, vector<64x128xf32>,
    return
  }
  func.func @transform_0(%arg0: i32) -> (i32, i32) {
    %c0_i32 = arith.constant 0 : i32
    %c0_i32_0 = arith.constant 0 : i32
    return %arg0, %c0_i32 : i32, i32
  }
  func.func @transform_1(%arg0: i32) -> (i32, i32) {
    %c0_i32 = arith.constant 0 : i32
    %c0_i32_0 = arith.constant 0 : i32
    return %c0_i32, %arg0 : i32, i32
  }
  func.func @transform_2(%arg0: i32) -> (i32, i32) {
    %c0_i32 = arith.constant 0 : i32
    %c0_i32_0 = arith.constant 0 : i32
    %c0_i32_1 = arith.constant 0 : i32
    return %c0_i32, %c0_i32_0 : i32, i32
  }
  func.func @transform_3(%arg0: i32) -> (i32, i32) {
    %c0_i32 = arith.constant 0 : i32
    %c0_i32_0 = arith.constant 0 : i32
    %c0_i32_1 = arith.constant 0 : i32
    return %c0_i32, %c0_i32_0 : i32, i32
  }
  func.func @transform_4(%arg0: i32) -> i32 {
    %c0_i32 = arith.constant 0 : i32
    %c0_i32_0 = arith.constant 0 : i32
    return %c0_i32 : i32
  }
  func.func @transform_5(%arg0: i32) -> (i32, i32) {
    %c0_i32 = arith.constant 0 : i32
    %c0_i32_0 = arith.constant 0 : i32
    return %c0_i32, %arg0 : i32, i32
  }
  func.func @transform_6(%arg0: i32) -> (i32, i32) {
    %c0_i32 = arith.constant 0 : i32
    %c0_i32_0 = arith.constant 0 : i32
    return %c0_i32, %arg0 : i32, i32
  }
}

</mosaic_0001>

<sc_bundles>
// kernel: sparse-core-data-format-call.cloned.1.call-start
scs
called_computation_lowered:
.L_overlay_start_0:
0x0: {  	s2 =	sld [smem:$0x3FD9]  }
0x1: {  	s3 =	sld [smem:$0x3FFE];
	_ =	sdelay $0x1  }
0x2: {  	s1 =	srdreg.scid  }
0x3: {  	s0 =	sand.u32 $0x1, s1  }
0x4: {  	s18 =	sshll.u32 s0, $0xA;
	s2 =	sadd.s32 s3, s2  }
0x5: {  	s2 =	sadd.s32 s2, s18  }
0x6: {  	[smem:$0x3FC1] =	sst s2  }
0x7: {  	_ = 	snop  }
0x8: {  	s2 =	sld [smem:$0x3FC9];
	(tm) =	ssettm $0x1  }
0x9: {  	s19 =	sld [smem:$0x3FFB];
	_ =	sdelay $0x3  }
0xa: {  	_ =	strace s19  }
0xb: {  	s3 =	sld [smem:$0x3FFC];
	_ =	sdelay $0x3  }
0xc: {  	_ =	strace s3  }
0xd: {  	s3 =	sld [smem:$0x3FFD];
	_ =	sdelay $0x3  }
0xe: {  	_ =	strace s3  }
0xf: {  	_ =	strace $0x8FFFFFFF  }
0x10: {  	s20 =	sld [smem:$0x3FDB];
	_ =	sdelay $0x1  }
0x11: {  	s4 =	simm.s32 $_scs_section_size  }
0x12: {  	s5 =	simm.s32 $_size__tile_overlayer_lowered;
	s6 =	simm.s32 $_tile_overlayer_lowered  }
0x13: {  	s23 =	simm.s32 $0x1BFF;
	s22 =	sshll.u32 s6, $0x1;
	s3 =	sadd.s32 s4, s20  }
0x14: {  	s7 =	simm.s32 $0x0;
	s21 =	sshll.u32 s5, $0x1;
	s5 =	sadd.s32 s22, s3  }
0x15: {  	[timem:s7], [sflag:s23] =	dma.local [hbm:s5], s21  }
0x16: {  	_ =	swait.ge [sflag:s23], s21  }
0x17: {  	s4 =	ssub.s32 $0x0, s21;
	[sflag:s23] =	ssyncset.done $0x0  }
0x18: {  	[sflag:s23] =	ssyncadd.s32 s4;
	_ =	sdelay $0x1  }
0x19: {  	s24 =	simm.s32 $0x1B8B  }
0x1a: {  	_ =	swait.ge [sflag:s24], $0x1  }
0x1b: {  	[sflag:s24] =	ssyncset.done $0x0  }
0x1c: {  	s26 =	simm.s32 $0x1B8E;
	s25 =	sld [smem:$0x3FFE];
	[sflag:s24] =	ssyncadd.s32 $0xFFFFFFFF  }
0x1d: {  	s27 =	simm.s32 $execute0_lowered;
	[smem:$0x3FD2] =	sst s26  }
0x1e: {  	s5 =	sshll.u32 s27, $0x1;
	_ =	strace $0x80000046;
	[dreg:$0x1] =	wrdreg $0xFFFFFFFF  }
0x1f: {  	s28 =	simm.s32 $_size_execute0_lowered;
	s3 =	sadd.s32 s3, s5;
	[dreg:$0x0] =	wrdreg $0x0  }
0x20: {  	s5 =	sshll.u32 s28, $0x1;
	[dreg:$0x2] =	wrdreg s3  }
0x21: {  	[dreg:$0x3] =	wrdreg s5  }
0x22: {  	[dreg:$0x4] =	wrdreg $0xC0  }
0x23: {  	_ =	task [dreg:s7], $0x5FFFF  }
0x24: {  	[dreg:$0x1] =	wrdreg $0xFFFFFFFF  }
0x25: {  	[dreg:$0x0] =	wrdreg $0x60  }
0x26: {  	[dreg:$0x2] =	wrdreg s2  }
0x27: {  	[dreg:$0x3] =	wrdreg s25  }
0x28: {  	[dreg:$0x4] =	wrdreg $0x9  }
0x29: {  	_ =	task.clear_ibuf [dreg:s7], $0x5FFFF;
	_ =	strace $0x90000046  }
0x2a: {  	s29 =	simm.s32 $0x9;
	_ =	strace $0x80000048  }
0x2b: {  	_ =	swait.ge [sflag:s29], $0x1  }
0x2c: {  	[sflag:s29] =	ssyncadd.s32 $0xFFFFFFFF  }
0x2d: {  	_ =	strace $0x90000048  }
0x2e: {  	_ =	sfence  }
0x2f: {  	s30 =	sld [smem:$0x0];
	_ =	sdelay $0x2  }
0x30: {  	s31 =	sshll.u32 s1, $0xD;
	s1 =	sshrl.u32 s1, $0x2  }
0x31: {  	s3 =	sand.u32 $0x4000, s31;
	s1 =	sadd.s32 s1, s30  }
0x32: {  	s0 =	sor.u32 s3, s0;
	s1 =	sshll.u32 s1, $0x11  }
0x33: {  	s0 =	sor.u32 s1, s0  }
0x34: {  	s0 =	sadd.s32 $0x8F2B, s0  }
0x35: {  	[sflag:s0] =	ssyncadd.remote.s32 $0x1  }
0x36: {  	_ =	sfence.sel $0xFFFF  }
0x37: {  	[dreg:$0x0] =	wrdreg $0xFFFFFFFF;
	(pc) =	sbr.abs _section_cstart, $3  }
0x38: {  	[dreg:$0x1] =	wrdreg $0xFFFFFFFF  }
0x39: {  	_ =	task.clear_ibuf [dreg:s7], $0x2FFFF;
	_ =	strace $0x9FFFFFFF  }
0x3a: {  	(tm) =	ssettm $0x7FFFFFFF  }
0x3b: {  	_ =	shalt  }
tec
execute0_lowered:
.L_overlay_start_1:
0x0: {  	(tag) =	ssettag $0x1  }
0x1: {  	s2 =	rddreg [dreg:$0x0]  }
0x2: {  	s1 =	rddreg [dreg:$0x1]  }
0x3: {  	s0 =	rddreg [dreg:$0x2];
	s4 =	srdreg.scid  }
0x4: {  	_ =	strace $0x80000047;
	s6 =	simm.s32 $0x2;
	p0 =	por $0x0, $0x0  }
0x5: {  	s11 =	simm.s32 $0x0;
	s12 =	simm.s32 $0x0;
	s13 =	simm.s32 $0x0  }
.Ltmp0:
0x6: {  	s8 =	simm.s32 $0x0;
	s9 =	simm.s32 $0x0;
	(pc) =	sbr.rel .LBB1_1-.Ltmp0, $4  }
0x7: {  	s7 =	simm.s32 $0x0;
	s3 =	sadd.s32 $0x1400, s1;
	s4 =	sshll.u32 s4, $0x4  }
0x8: {  	s1 =	stileid.u32;
	s5 =	sand.u32 $0x10, s4;
	s4 =	simm.s32 $0x1  }
0x9: {  	s19 =	simm.s32 $0x0;
	s5 =	sor.u32 s1, s5;
	[sflag:s4] =	ssyncpa.u1 $0x0  }
0xa: {  	[sflag:s6] =	ssyncpa.u1 $0x0;
	s6 =	simm.s32 $0x0;
	s10 =	smov.u32 s5  }
.LBB1_7:
0xb: {  	s14 =	sadd.s32 $0x8, s8  }
0xc: {  	s11 =	sadd.s32 $0x8, s9;
	s15 =	smov.u32 s9;
	p2 =	sgt.s32 s14, $0xF  }
0xd: {  	s15 =	smov.u32 @p2 s11  }
0xe: {  	s17 =	smov.u32 s10;
	s11 =	sadd.s32 $0x20, s10;
	p3 =	sgt.s32 s15, $0x7  }
0xf: {  	p1 =	slt.u32 s7, $0x2;
	s17 =	smov.u32 @p3 s11  }
0x10: {  	s7 =	sadd.s32 $0x1, s7;
	s14 =	simm.s32 @p2 $0x0;
	p2 =	sgt.s32 s17, $0x7FF  }
0x11: {  	s17 =	smov.u32 @p2 s5;
	p2 =	sne.s32 s7, $0x82  }
.Ltmp1:
0x12: {  	s16 =	simm.s32 @!p1 $0x2;
	(pc) =	sbr.rel @!p2 .LBB1_8-.Ltmp1, $4  }
0x13: {  	s12 =	smov.u32 s9;
	_ =	swait.ge @!p1 [sflag:s16], $0x4000  }
0x14: {  	s13 =	smov.u32 s10;
	p0 =	por !p0, !p0;
	[sflag:s16] =	ssyncset.done @!p1 $0x0  }
0x15: {  	s15 =	simm.s32 @p3 $0x0;
	s11 =	smov.u32 s8;
	[sflag:s16] =	ssyncadd.s32 @!p1 $0xFFFFC000  }
0x16: {  	s8 =	smov.u32 s14;
	s9 =	smov.u32 s15;
	s10 =	smov.u32 s17  }
.LBB1_1:
0x17: {  	p1 =	sgt.u32 s7, $0x7F  }
0x18: {  	s14 =	sxor.u32 @!p1 $0xFFFFFFFF, s7  }
0x19: {  	s15 =	sshll.u32 @!p1 s8, $0x8;
	s16 =	sshll.u32 @!p1 s8, $0x7;
	s17 =	sshll.u32 @!p1 s10, $0xC  }
0x1a: {  	s18 =	sshll.u32 @!p1 s9, $0x9;
	s15 =	sand.u32 @!p1 $0x800, s15;
	s16 =	sand.u32 @!p1 $0x380, s16  }
0x1b: {  	s14 =	sshll.u32 @!p1 s14, $0xE;
	s15 =	sor.u32 @!p1 s16, s15;
	s16 =	sadd.s32 @!p1 s2, s17  }
0x1c: {  	s14 =	sand.u32 @!p1 $0x4000, s14;
	s15 =	sshrl.u32 @!p1 s15, $0x3;
	s16 =	sadd.s32 @!p1 s18, s16  }
0x1d: {  	s17 =	simm.s32 @!p1 $0x1000;
	s15 =	sadd.s32 @!p1 s15, s16;
	s16 =	simm.s32 @!p1 $0x800  }
0x1e: {  	[tilespmem:s14], [sflag:$0x1] =	stream.strided.gather @!p1 [hbm4b:s15+s16], $0x4000, s17, s16, $0x38;
	[tilespmem:$0x10000] =	vst v63  }
0x1f: {  	p1 =	seq.s32 s7, $0x0  }
0x20: {  	p2 =	seq.s32 @!p1 s7, $0x81  }
0x21: {  	p1 =	por p1, p2  }
.Ltmp2:
0x22: {  	_ = 	snop;
	(pc) =	sbr.rel @p1 .LBB1_7-.Ltmp2, $1  }
0x23: {  	_ =	sdelay $0x3  }
0x24: {  	s14 =	simm.s32 $0x1  }
0x25: {  	_ =	swait.ge [sflag:s4], $0x4000;
	s31 =	sshll.u32 s7, $0xE;
	p1 =	por $0x0, $0x0  }
0x26: {  	s20 =	simm.s32 $0x0;
	s21 =	simm.s32 $0x0;
	s14 =	simm.s32 @!p0 $0x0  }
0x27: {  	[sflag:s4] =	ssyncset.done $0x0;
	s17 =	sand.u32 $0x4000, s31;
	s14 =	sshll.u32 s14, $0x10  }
0x28: {  	[sflag:s4] =	ssyncadd.s32 $0xFFFFC000;
	s18 =	sshrl.u32 s14, $0x2;
	s14 =	sor.u32 $0x8000, s17  }
0x29: {  	s15 =	sor.u32 $0x40, s18;
	s16 =	sor.u32 $0x8410, s18;
	s18 =	sadd.s32 $0x8400, s18  }
.LBB1_3:
0x2a: {  	v1 =	vld [tilespmem:s15+$0xFFFFFFD0]  }
0x2b: {  	v2 =	vld [tilespmem:s15+$0x430]  }
0x2c: {  	s22 =	sshll.u32 s21, $0xB;
	v4 =	vld [tilespmem:s15+$0xFFFFFFE0]  }
0x2d: {  	v7 =	vld [tilespmem:s15+$0xFFFFFFF0];
	v0 =	vmov s22  }
0x2e: {  	v8 =	vld [tilespmem:s15+$0x0]  }
0x2f: {  	s30 =	sand.u32 $0x300, s19;
	v9 =	vld [tilespmem:s15+$0x10]  }
0x30: {  	s23 =	sand.u32 $0x80, s19;
	v10 =	vld [tilespmem:s15+$0x20];
	s22 =	sadd.s32 s30, s17  }
0x31: {  	v11 =	vld [tilespmem:s15+$0x30];
	s22 =	sadd.s32 s23, s22;
	s23 =	simm.s32 $0x1;
	[tilespmem:s16+$0x60] =	vst v2  }
0x32: {  	s31 =	sshll.u32 s20, $0x2;
	s23 =	simm.s32 @!p1 $0x0;
	[tilespmem:s16+$0xFFFFFC00] =	vst v1;
	v3 =	vld.idx.msk [tilespmem:v0+s22+$0x400 ss:$0x1], $0xffff  }
0x33: {  	v6 =	vld [tilespmem:s15+$0x3D0];
	s23 =	sshll.u32 s23, $0x9;
	[tilespmem:s16+$0xFFFFFC10] =	vst v4;
	s22 =	sand.u32 $0xFFFFFC00, s31  }
0x34: {  	v5 =	vld [tilespmem:s15+$0x3E0];
	[tilespmem:s16+$0xFFFFFC20] =	vst v7;
	s22 =	sor.u32 s23, s22  }
0x35: {  	[tilespmem:s16+$0xFFFFFC30] =	vst v8;
	v4 =	vld [tilespmem:s15+$0x400];
	s22 =	sshrl.u32 s22, $0x2  }
0x36: {  	[tilespmem:s16+$0xFFFFFC40] =	vst v9;
	v1 =	vld [tilespmem:s15+$0x410];
	s22 =	sadd.s32 s22, s18  }
0x37: {  	[tilespmem:s22+$0x0] =	vst v3;
	v3 =	vld [tilespmem:s15+$0x3F0]  }
0x38: {  	s26 =	simm.s32 $0x80;
	s25 =	simm.s32 $0x100;
	[tilespmem:s16+$0xFFFFFC50] =	vst v10;
	v2 =	vld [tilespmem:s15+$0x420]  }
0x39: {  	s24 =	smov.u32 s16;
	s27 =	sand.u32 $0x300, s26;
	v7 =	vld [tilespmem:s15+$0xFFFFFFC0];
	[tilespmem:s16+$0xFFFFFC60] =	vst v11;
	s23 =	sadd.s32 $0x80, s15  }
.LBB1_4:
0x3a: {  	p2 =	sne.s32 s25, $0x380;
	v8 =	vld [tilespmem:s23+$0xFFFFFFD0];
	s26 =	sand.u32 $0x80, s26;
	s27 =	sadd.s32 s27, s17;
	[tilespmem:s24+$0x0] =	vst v6  }
0x3b: {  	s27 =	sadd.s32 s26, s27;
	v6 =	vld [tilespmem:s23+$0x430];
	[tilespmem:s24+$0x10] =	vst v5;
	s26 =	smov.u32 s25  }
0x3c: {  	v5 =	vld.idx.msk [tilespmem:v0+s27+$0x400 ss:$0x1], $0xffff;
	[tilespmem:s24+$0x20] =	vst v3  }
0x3d: {  	v3 =	vld [tilespmem:s23+$0xFFFFFFE0];
	[tilespmem:s24+$0x30] =	vst v4  }
0x3e: {  	v4 =	vld [tilespmem:s23+$0xFFFFFFF0];
	[tilespmem:s24+$0xFFFFFBF0] =	vst v7  }
0x3f: {  	v7 =	vld [tilespmem:s23+$0x0];
	[tilespmem:s24+$0x40] =	vst v1  }
0x40: {  	v1 =	vld [tilespmem:s23+$0x10];
	[tilespmem:s24+$0x50] =	vst v2;
	s24 =	sadd.s32 $0x800, s24  }
0x41: {  	s22 =	sadd.s32 $0x800, s22;
	v2 =	vld [tilespmem:s23+$0x20];
	[tilespmem:s24+$0x60] =	vst v6  }
0x42: {  	v9 =	vld [tilespmem:s23+$0x30];
	[tilespmem:s22+$0x0] =	vst v5  }
0x43: {  	[tilespmem:s24+$0xFFFFFC00] =	vst v8;
	v6 =	vld [tilespmem:s23+$0x3D0]  }
0x44: {  	[tilespmem:s24+$0xFFFFFC10] =	vst v3;
	v5 =	vld [tilespmem:s23+$0x3E0]  }
.Ltmp3:
0x45: {  	[tilespmem:s24+$0xFFFFFC20] =	vst v4;
	v3 =	vld [tilespmem:s23+$0x3F0];
	(pc) =	sbr.rel @p2 .LBB1_4-.Ltmp3, $4  }
0x46: {  	[tilespmem:s24+$0xFFFFFC30] =	vst v7;
	v4 =	vld [tilespmem:s23+$0x400]  }
0x47: {  	[tilespmem:s24+$0xFFFFFC40] =	vst v1;
	v1 =	vld [tilespmem:s23+$0x410]  }
0x48: {  	[tilespmem:s24+$0xFFFFFC50] =	vst v2;
	v2 =	vld [tilespmem:s23+$0x420]  }
0x49: {  	s25 =	sadd.s32 $0x80, s25;
	s27 =	sand.u32 $0x300, s26;
	v7 =	vld [tilespmem:s23+$0xFFFFFFC0];
	[tilespmem:s24+$0xFFFFFC60] =	vst v9;
	s23 =	sadd.s32 $0x80, s23  }
0x4a: {  	[tilespmem:s24+$0x0] =	vst v6  }
0x4b: {  	[tilespmem:s24+$0x10] =	vst v5  }
0x4c: {  	v49 =	vld [tilespmem:s23+$0x430];
	[tilespmem:s24+$0x20] =	vst v3  }
0x4d: {  	v50 =	vld [tilespmem:s23+$0xFFFFFFD0];
	[tilespmem:s24+$0x30] =	vst v4  }
0x4e: {  	v51 =	vld [tilespmem:s23+$0xFFFFFFE0];
	[tilespmem:s24+$0x40] =	vst v1  }
0x4f: {  	v52 =	vld [tilespmem:s23+$0xFFFFFFF0];
	[tilespmem:s24+$0x50] =	vst v2  }
0x50: {  	s31 =	sadd.s32 $0x800, s24;
	v53 =	vld [tilespmem:s23+$0x0];
	[tilespmem:s24+$0xFFFFFBF0] =	vst v7  }
0x51: {  	v54 =	vld [tilespmem:s23+$0x10];
	[tilespmem:s31+$0x60] =	vst v49  }
0x52: {  	v55 =	vld [tilespmem:s23+$0x20];
	[tilespmem:s31+$0xFFFFFC00] =	vst v50  }
0x53: {  	v56 =	vld [tilespmem:s23+$0x30];
	[tilespmem:s31+$0xFFFFFC10] =	vst v51  }
0x54: {  	v57 =	vld [tilespmem:s23+$0x3D0];
	[tilespmem:s31+$0xFFFFFC20] =	vst v52  }
0x55: {  	v58 =	vld [tilespmem:s23+$0x3E0];
	[tilespmem:s31+$0xFFFFFC30] =	vst v53  }
0x56: {  	v59 =	vld [tilespmem:s23+$0x3F0];
	[tilespmem:s31+$0xFFFFFC40] =	vst v54  }
0x57: {  	v60 =	vld [tilespmem:s23+$0x400];
	[tilespmem:s31+$0xFFFFFC50] =	vst v55  }
0x58: {  	v61 =	vld [tilespmem:s23+$0xFFFFFFC0];
	[tilespmem:s31+$0xFFFFFC60] =	vst v56  }
0x59: {  	s25 =	sand.u32 $0x80, s26;
	s30 =	sadd.s32 s27, s17;
	v62 =	vld [tilespmem:s23+$0x410];
	[tilespmem:s31+$0x0] =	vst v57  }
0x5a: {  	v63 =	vld [tilespmem:s23+$0x420];
	s21 =	sadd.s32 $0x1, s21;
	s25 =	sadd.s32 s25, s30;
	[tilespmem:s31+$0x10] =	vst v58  }
0x5b: {  	p2 =	sne.s32 s21, $0x8;
	v0 =	vld.idx.msk [tilespmem:v0+s25+$0x400 ss:$0x1], $0xffff;
	[tilespmem:s31+$0x20] =	vst v59  }
.Ltmp4:
0x5c: {  	[tilespmem:s31+$0x30] =	vst v60;
	(pc) =	sbr.rel @p2 .LBB1_3-.Ltmp4, $4  }
0x5d: {  	[tilespmem:s31+$0xFFFFFBF0] =	vst v61  }
0x5e: {  	[tilespmem:s31+$0x40] =	vst v62  }
0x5f: {  	s22 =	sadd.s32 $0x800, s22;
	s15 =	sadd.s32 $0x800, s15;
	[tilespmem:s31+$0x50] =	vst v63  }
0x60: {  	s20 =	sadd.s32 $0x80, s20;
	p1 =	por !p1, !p1;
	s16 =	sadd.s32 $0x80, s16;
	[tilespmem:s22+$0x0] =	vst v0  }
.Ltmp5:
0x61: {  	s13 =	sshll.u32 s13, $0xC;
	(pc) =	sbr.rel .LBB1_7-.Ltmp5, $4  }
0x62: {  	s11 =	sshll.u32 s11, $0x8;
	s12 =	sshll.u32 s12, $0x4;
	s13 =	sadd.s32 s3, s13  }
0x63: {  	s12 =	sand.u32 $0x70, s12;
	s11 =	sadd.s32 s11, s13  }
0x64: {  	s11 =	sadd.s32 s12, s11  }
0x65: {  	[hbm4b:s11+s6] =	stream.linear.scatter [tilespmem:s14], [sflag:$0x2], $0x4000, $0x38;
	[tilespmem:$0x10000] =	vst v63  }
.LBB1_8:
0x66: {  	_ =	sfence.sel $0x180000  }
0x67: {  	s2 =	simm.s32 $0x1;
	[bflag:$0x0] =	sbarrier.arrive $0xFFFF  }
0x68: {  	s31 =	simm.s32 $0x2;
	[sflag:s2] =	ssyncpa.u1 $0x1  }
0x69: {  	[sflag:s31] =	ssyncpa.u1 $0x1  }
0x6a: {  	p0 =	sne.s32 s1, $0x0;
	_ =	strace $0x90000047  }
0x6b: {  	s0 =	sadd.s32 @!p0 $0x100000, s0;
	[bflag:$0x2] =	sbarrier.arrive $0xFFFF  }
0x6c: {  	[sflag:s0] =	ssyncadd.tile.s32 @!p0 $0x1;
	_ =	shalt  }
.Lfunc_end1:
_tile_overlayer_lowered:
.L_overlay_start_2:
0x6d: {  	(tag) =	ssettag $0x2  }
0x6e: {  	s0 =	rddreg [dreg:$0x0];
	s2 =	stileid.u32  }
0x6f: {  	s1 =	rddreg [dreg:$0x1];
	p0 =	sne.s32 s2, $0x0  }
0x70: {  	s3 =	rddreg [dreg:$0x2];
	[bflag:$0x3] =	sbarrier.arrive $0xFFFF;
	s2 =	simm.s32 @!p0 $0x1C01  }
0x71: {  	[timem:s3], [sflag:s2] =	dma.local @!p0 [hbm:s0], s1  }
0x72: {  	s0 =	simm.s32 @!p0 $0x1  }
0x73: {  	_ =	swait.ge @!p0 [sflag:s0], s1  }
0x74: {  	s1 =	ssub.s32 @!p0 $0x0, s1;
	[sflag:s0] =	ssyncset.done @!p0 $0x0  }
0x75: {  	[sflag:s0] =	ssyncadd.s32 @!p0 s1  }
0x76: {  	[bflag:$0x3] =	sbarrier.arrive $0xFFFF  }
0x77: {  	_ =	shalt  }

</sc_bundles>
